<compile_context>
chip_gen: v7x
topology: tpu7x:2x2x1
jax: 0.10.2.dev20260603
libtpu: 0.0.44.dev20260713+nightly
codegen_flags: <defaults>
</compile_context>

<pallas_src>
import functools

import jax
import jax.numpy as jnp
from jax import lax
from jax.experimental import pallas as pl
from jax.experimental.pallas import tpu as pltpu
from jax.experimental.pallas import tpu_sc as plsc

_NBUF = 8


@functools.lru_cache(maxsize=None)
def _build_gather(batch: int, seq: int, vocab: int, dim: int):
    info = plsc.get_sparse_core_info()
    nc, ns, lanes = info.num_cores, info.num_subcores, info.num_lanes
    nw = nc * ns
    assert dim % lanes == 0 and batch % nw == 0
    b_per_w = batch // nw
    seq_p = -(-seq // 8) * 8
    nbuf = _NBUF
    assert b_per_w % nbuf == 0
    rounds = b_per_w

    mesh = plsc.VectorSubcoreMesh(core_axis_name="c", subcore_axis_name="s")

    @functools.partial(
        pl.kernel,
        mesh=mesh,
        out_type=jax.ShapeDtypeStruct((batch, seq, 128), jnp.float32),
        scratch_types=[
            pltpu.VMEM((b_per_w, 128), jnp.int32),
            pltpu.VMEM((nbuf, seq, 128), jnp.float32),
        ]
        + [pltpu.SemaphoreType.DMA] * (2 * _NBUF),
    )
    def gather_kernel(table_hbm, x_hbm, out_hbm, idx_v, bufs, *sems):
        sem_g = sems[:nbuf]
        sem_s = sems[nbuf:]
        wid = lax.axis_index("s") * nc + lax.axis_index("c")
        b0 = wid * b_per_w
        pltpu.sync_copy(x_hbm.at[pl.ds(b0, b_per_w)], idx_v)

        def gather_start(r, slot):
            pltpu.async_copy(
                table_hbm.at[idx_v.at[r, pl.ds(0, seq)]],
                bufs.at[slot],
                sem_g[slot],
            )

        def gather_wait(r, slot):
            pltpu.make_async_copy(
                table_hbm.at[idx_v.at[r, pl.ds(0, seq)]],
                bufs.at[slot],
                sem_g[slot],
            ).wait()

        def store_start(r, slot):
            return pltpu.async_copy(
                bufs.at[slot],
                out_hbm.at[b0 + r],
                sem_s[slot],
            )

        for slot in range(nbuf):
            gather_start(slot, slot)

        def step(g, carry):
            stores = []
            for slot in range(nbuf):
                gather_wait(g * nbuf + slot, slot)
                stores.append(store_start(g * nbuf + slot, slot))
            for slot in range(nbuf):
                stores[slot].wait()
                gather_start(g * nbuf + slot + nbuf, slot)
            return carry

        lax.fori_loop(0, rounds // nbuf - 1, step, 0)

        stores = []
        for slot in range(nbuf):
            r = rounds - nbuf + slot
            gather_wait(r, slot)
            stores.append(store_start(r, slot))
        for h in stores:
            h.wait()

    return gather_kernel


def kernel(x, emb_wi):
    b, s = x.shape
    v, d = emb_wi.shape
    run = _build_gather(b, s, v, d)
    table_p = jnp.pad(emb_wi, ((0, 0), (0, 128 - d)))
    x_p = jnp.pad(x.astype(jnp.int32), ((0, 0), (0, 128 - s)))
    wide = run(table_p, x_p)
    return wide[:, :, :d]

# --- scband reference (transcript-rebuilt; emitter-appended) ---
"""Pipeline reference for scband-word-embedding-56392920596639 (READ-ONLY COPY).

The authoritative reference and input builder live on the scoring server;
editing this copy changes nothing except your own understanding.
"""

import jax, jax.numpy as jnp
import numpy as np

VOCAB = 100000
EMBED_DIM = 64
BATCH = 4096
SEQ_LEN = 50

def setup_inputs(seed: int = 0) -> dict:
    key = jax.random.key(seed)
    k1, k2 = jax.random.split(key)
    x = jax.random.randint(k1, (BATCH, SEQ_LEN), 0, VOCAB, dtype=jnp.int64 if jax.config.jax_enable_x64 else jnp.int32)
    emb_wi = jax.random.normal(k2, (VOCAB, EMBED_DIM), dtype=jnp.float32)
    return {"x": x, "emb_wi": emb_wi}

def reference(x, emb_wi):
    # nn.Embedding.from_pretrained(emb_wi)(x) == table row gather
    return jnp.take(emb_wi, x, axis=0)

if __name__ == "__main__":
    import jax
    _d = setup_inputs()
    print(jax.jit(kernel)(*tuple(_d.values())))

</pallas_src>

<mosaic_0001>
#map = affine_map<(d0, d1) -> (0, 0)>
#map1 = affine_map<(d0, d1) -> (0, 0, 0)>
module attributes {stable_mosaic.version = 14 : i64} {
  func.func @gather_kernel(%arg0: i32, %arg1: i32, %arg2: memref<100000x128xf32, #tpu.memory_space<hbm>>, %arg3: memref<4096x128xi32, #tpu.memory_space<hbm>>, %arg4: memref<4096x50x128xf32, #tpu.memory_space<hbm>>, %arg5: memref<128x128xi32, #tpu.memory_space<vmem>>, %arg6: memref<8x50x128xf32, #tpu.memory_space<vmem>>, %arg7: memref<!tpu.dma_semaphore, #tpu.memory_space<semaphore_mem>>, %arg8: memref<!tpu.dma_semaphore, #tpu.memory_space<semaphore_mem>>, %arg9: memref<!tpu.dma_semaphore, #tpu.memory_space<semaphore_mem>>, %arg10: memref<!tpu.dma_semaphore, #tpu.memory_space<semaphore_mem>>, %arg11: memref<!tpu.dma_semaphore, #tpu.memory_space<semaphore_mem>>, %arg12: memref<!tpu.dma_semaphore, #tpu.memory_space<semaphore_mem>>, %arg13: memref<!tpu.dma_semaphore, #tpu.memory_space<semaphore_mem>>, %arg14: memref<!tpu.dma_semaphore, #tpu.memory_space<semaphore_mem>>, %arg15: memref<!tpu.dma_semaphore, #tpu.memory_space<semaphore_mem>>, %arg16: memref<!tpu.dma_semaphore, #tpu.memory_space<semaphore_mem>>, %arg17: memref<!tpu.dma_semaphore, #tpu.memory_space<semaphore_mem>>, %arg18: memref<!tpu.dma_semaphore, #tpu.memory_space<semaphore_mem>>, %arg19: memref<!tpu.dma_semaphore, #tpu.memory_space<semaphore_mem>>, %arg20: memref<!tpu.dma_semaphore, #tpu.memory_space<semaphore_mem>>, %arg21: memref<!tpu.dma_semaphore, #tpu.memory_space<semaphore_mem>>, %arg22: memref<!tpu.dma_semaphore, #tpu.memory_space<semaphore_mem>>) attributes {dimension_semantics = [#tpu.dimension_semantics<core_parallel>, #tpu.dimension_semantics<subcore_parallel>], iteration_bounds = array<i64: 2, 16>, scalar_prefetch = 0 : i64, scratch_operands = 18 : i64, tpu.core_type = #tpu.core_type<sc_vector_subcore>, window_params = [{transform_indices = #map}, {transform_indices = #map}, {transform_indices = #map1}]} {
    %mul3A = arith.constant 2 : i32
    %mul3A_0 = arith.muli %arg1, %mul3A : i32
    %add3A = arith.addi %mul3A_0, %arg0 : i32
    %mul3A_1 = arith.constant 128 : i32
    %mul3A_2 = arith.muli %add3A, %mul3A_1 : i32
    "tpu.region"() ({
      %run_scoped3A = tpu.sem_alloc : memref<!tpu.dma_semaphore, #tpu.memory_space<semaphore_mem>>
      %dma_start3A_486 = arith.constant 0 : i32
      %dma_start3A_487 = tpu.memref_slice %arg3[%mul3A_2, %dma_start3A_486] : memref<4096x128xi32, #tpu.memory_space<hbm>> -> memref<128x128xi32, #tpu.memory_space<hbm>>
      %dma_start3A_488 = arith.constant 0 : i32
      %dma_start3A_489 = tpu.memref_slice %arg3[%mul3A_2, %dma_start3A_488] : memref<4096x128xi32, #tpu.memory_space<hbm>> -> memref<128x128xi32, #tpu.memory_space<hbm>>
      tpu.enqueue_dma source(%dma_start3A_489 : memref<128x128xi32, #tpu.memory_space<hbm>>) target(%arg5 : memref<128x128xi32, #tpu.memory_space<vmem>>) target_semaphore(%run_scoped3A : memref<!tpu.dma_semaphore, #tpu.memory_space<semaphore_mem>>)
      %dma_wait3A_490 = arith.constant 0 : i32
      %dma_wait3A_491 = tpu.memref_slice %arg3[%mul3A_2, %dma_wait3A_490] : memref<4096x128xi32, #tpu.memory_space<hbm>> -> memref<128x128xi32, #tpu.memory_space<hbm>>
      %dma_wait3A_492 = arith.constant 0 : i32
      %dma_wait3A_493 = tpu.memref_slice %arg3[%mul3A_2, %dma_wait3A_492] : memref<4096x128xi32, #tpu.memory_space<hbm>> -> memref<128x128xi32, #tpu.memory_space<hbm>>
      tpu.wait_dma2 semaphore(%run_scoped3A : memref<!tpu.dma_semaphore, #tpu.memory_space<semaphore_mem>>) src(%dma_wait3A_493 : memref<128x128xi32, #tpu.memory_space<hbm>>) dst(%arg5 : memref<128x128xi32, #tpu.memory_space<vmem>>)
      tpu.yield
    }) : () -> ()
    %dma_start3A = arith.constant 0 : i32
    %dma_start3A_3 = arith.constant 0 : i32
    %dma_start3A_4 = arith.constant 0 : i32
    %dma_start3A_5 = arith.constant 0 : i32
    %dma_start3A_6 = tpu.memref_slice %arg6[%dma_start3A_3, %dma_start3A_4, %dma_start3A_5] : memref<8x50x128xf32, #tpu.memory_space<vmem>> -> memref<1x50x128xf32, #tpu.memory_space<vmem>>
    %dma_start3A_7 = tpu.memref_squeeze %dma_start3A_6 : memref<1x50x128xf32, #tpu.memory_space<vmem>> -> memref<50x128xf32, #tpu.memory_space<vmem>>
    %dma_start3A_8 = arith.constant 0 : i32
    %dma_start3A_9 = tpu.memref_slice %arg5[%dma_start3A, %dma_start3A_8] : memref<128x128xi32, #tpu.memory_space<vmem>> -> memref<1x50xi32, #tpu.memory_space<vmem>>
    %dma_start3A_10 = tpu.memref_squeeze %dma_start3A_9 : memref<1x50xi32, #tpu.memory_space<vmem>> -> memref<50xi32, #tpu.memory_space<vmem>>
    %dma_start3A_11 = arith.constant 0 : i32
    %dma_start3A_12 = arith.constant 0 : i32
    %dma_start3A_13 = tpu.memref_slice %arg2[%dma_start3A_11, %dma_start3A_12] : memref<100000x128xf32, #tpu.memory_space<hbm>> -> memref<100000x128xf32, #tpu.memory_space<hbm>>
    tpu.enqueue_indirect_dma source(%dma_start3A_13 : memref<100000x128xf32, #tpu.memory_space<hbm>>) target(%dma_start3A_7 : memref<50x128xf32, #tpu.memory_space<vmem>>) offsets(%dma_start3A_10 : memref<50xi32, #tpu.memory_space<vmem>>) semaphore(%arg7 : memref<!tpu.dma_semaphore, #tpu.memory_space<semaphore_mem>>)
    %dma_start3A_14 = arith.constant 1 : i32
    %dma_start3A_15 = arith.constant 1 : i32
    %dma_start3A_16 = arith.constant 0 : i32
    %dma_start3A_17 = arith.constant 0 : i32
    %dma_start3A_18 = tpu.memref_slice %arg6[%dma_start3A_15, %dma_start3A_16, %dma_start3A_17] : memref<8x50x128xf32, #tpu.memory_space<vmem>> -> memref<1x50x128xf32, #tpu.memory_space<vmem>>
    %dma_start3A_19 = tpu.memref_squeeze %dma_start3A_18 : memref<1x50x128xf32, #tpu.memory_space<vmem>> -> memref<50x128xf32, #tpu.memory_space<vmem>>
    %dma_start3A_20 = arith.constant 0 : i32
    %dma_start3A_21 = tpu.memref_slice %arg5[%dma_start3A_14, %dma_start3A_20] : memref<128x128xi32, #tpu.memory_space<vmem>> -> memref<1x50xi32, #tpu.memory_space<vmem>>
    %dma_start3A_22 = tpu.memref_squeeze %dma_start3A_21 : memref<1x50xi32, #tpu.memory_space<vmem>> -> memref<50xi32, #tpu.memory_space<vmem>>
    %dma_start3A_23 = arith.constant 0 : i32
    %dma_start3A_24 = arith.constant 0 : i32
    %dma_start3A_25 = tpu.memref_slice %arg2[%dma_start3A_23, %dma_start3A_24] : memref<100000x128xf32, #tpu.memory_space<hbm>> -> memref<100000x128xf32, #tpu.memory_space<hbm>>
    tpu.enqueue_indirect_dma source(%dma_start3A_25 : memref<100000x128xf32, #tpu.memory_space<hbm>>) target(%dma_start3A_19 : memref<50x128xf32, #tpu.memory_space<vmem>>) offsets(%dma_start3A_22 : memref<50xi32, #tpu.memory_space<vmem>>) semaphore(%arg8 : memref<!tpu.dma_semaphore, #tpu.memory_space<semaphore_mem>>)
    %dma_start3A_26 = arith.constant 2 : i32
    %dma_start3A_27 = arith.constant 2 : i32
    %dma_start3A_28 = arith.constant 0 : i32
    %dma_start3A_29 = arith.constant 0 : i32
    %dma_start3A_30 = tpu.memref_slice %arg6[%dma_start3A_27, %dma_start3A_28, %dma_start3A_29] : memref<8x50x128xf32, #tpu.memory_space<vmem>> -> memref<1x50x128xf32, #tpu.memory_space<vmem>>
    %dma_start3A_31 = tpu.memref_squeeze %dma_start3A_30 : memref<1x50x128xf32, #tpu.memory_space<vmem>> -> memref<50x128xf32, #tpu.memory_space<vmem>>
    %dma_start3A_32 = arith.constant 0 : i32
    %dma_start3A_33 = tpu.memref_slice %arg5[%dma_start3A_26, %dma_start3A_32] : memref<128x128xi32, #tpu.memory_space<vmem>> -> memref<1x50xi32, #tpu.memory_space<vmem>>
    %dma_start3A_34 = tpu.memref_squeeze %dma_start3A_33 : memref<1x50xi32, #tpu.memory_space<vmem>> -> memref<50xi32, #tpu.memory_space<vmem>>
    %dma_start3A_35 = arith.constant 0 : i32
    %dma_start3A_36 = arith.constant 0 : i32
    %dma_start3A_37 = tpu.memref_slice %arg2[%dma_start3A_35, %dma_start3A_36] : memref<100000x128xf32, #tpu.memory_space<hbm>> -> memref<100000x128xf32, #tpu.memory_space<hbm>>
    tpu.enqueue_indirect_dma source(%dma_start3A_37 : memref<100000x128xf32, #tpu.memory_space<hbm>>) target(%dma_start3A_31 : memref<50x128xf32, #tpu.memory_space<vmem>>) offsets(%dma_start3A_34 : memref<50xi32, #tpu.memory_space<vmem>>) semaphore(%arg9 : memref<!tpu.dma_semaphore, #tpu.memory_space<semaphore_mem>>)
    %dma_start3A_38 = arith.constant 3 : i32
    %dma_start3A_39 = arith.constant 3 : i32
    %dma_start3A_40 = arith.constant 0 : i32
    %dma_start3A_41 = arith.constant 0 : i32
    %dma_start3A_42 = tpu.memref_slice %arg6[%dma_start3A_39, %dma_start3A_40, %dma_start3A_41] : memref<8x50x128xf32, #tpu.memory_space<vmem>> -> memref<1x50x128xf32, #tpu.memory_space<vmem>>
    %dma_start3A_43 = tpu.memref_squeeze %dma_start3A_42 : memref<1x50x128xf32, #tpu.memory_space<vmem>> -> memref<50x128xf32, #tpu.memory_space<vmem>>
    %dma_start3A_44 = arith.constant 0 : i32
    %dma_start3A_45 = tpu.memref_slice %arg5[%dma_start3A_38, %dma_start3A_44] : memref<128x128xi32, #tpu.memory_space<vmem>> -> memref<1x50xi32, #tpu.memory_space<vmem>>
    %dma_start3A_46 = tpu.memref_squeeze %dma_start3A_45 : memref<1x50xi32, #tpu.memory_space<vmem>> -> memref<50xi32, #tpu.memory_space<vmem>>
    %dma_start3A_47 = arith.constant 0 : i32
    %dma_start3A_48 = arith.constant 0 : i32
    %dma_start3A_49 = tpu.memref_slice %arg2[%dma_start3A_47, %dma_start3A_48] : memref<100000x128xf32, #tpu.memory_space<hbm>> -> memref<100000x128xf32, #tpu.memory_space<hbm>>
    tpu.enqueue_indirect_dma source(%dma_start3A_49 : memref<100000x128xf32, #tpu.memory_space<hbm>>) target(%dma_start3A_43 : memref<50x128xf32, #tpu.memory_space<vmem>>) offsets(%dma_start3A_46 : memref<50xi32, #tpu.memory_space<vmem>>) semaphore(%arg10 : memref<!tpu.dma_semaphore, #tpu.memory_space<semaphore_mem>>)
    %dma_start3A_50 = arith.constant 4 : i32
    %dma_start3A_51 = arith.constant 4 : i32
    %dma_start3A_52 = arith.constant 0 : i32
    %dma_start3A_53 = arith.constant 0 : i32
    %dma_start3A_54 = tpu.memref_slice %arg6[%dma_start3A_51, %dma_start3A_52, %dma_start3A_53] : memref<8x50x128xf32, #tpu.memory_space<vmem>> -> memref<1x50x128xf32, #tpu.memory_space<vmem>>
    %dma_start3A_55 = tpu.memref_squeeze %dma_start3A_54 : memref<1x50x128xf32, #tpu.memory_space<vmem>> -> memref<50x128xf32, #tpu.memory_space<vmem>>
    %dma_start3A_56 = arith.constant 0 : i32
    %dma_start3A_57 = tpu.memref_slice %arg5[%dma_start3A_50, %dma_start3A_56] : memref<128x128xi32, #tpu.memory_space<vmem>> -> memref<1x50xi32, #tpu.memory_space<vmem>>
    %dma_start3A_58 = tpu.memref_squeeze %dma_start3A_57 : memref<1x50xi32, #tpu.memory_space<vmem>> -> memref<50xi32, #tpu.memory_space<vmem>>
    %dma_start3A_59 = arith.constant 0 : i32
    %dma_start3A_60 = arith.constant 0 : i32
    %dma_start3A_61 = tpu.memref_slice %arg2[%dma_start3A_59, %dma_start3A_60] : memref<100000x128xf32, #tpu.memory_space<hbm>> -> memref<100000x128xf32, #tpu.memory_space<hbm>>
    tpu.enqueue_indirect_dma source(%dma_start3A_61 : memref<100000x128xf32, #tpu.memory_space<hbm>>) target(%dma_start3A_55 : memref<50x128xf32, #tpu.memory_space<vmem>>) offsets(%dma_start3A_58 : memref<50xi32, #tpu.memory_space<vmem>>) semaphore(%arg11 : memref<!tpu.dma_semaphore, #tpu.memory_space<semaphore_mem>>)
    %dma_start3A_62 = arith.constant 5 : i32
    %dma_start3A_63 = arith.constant 5 : i32
    %dma_start3A_64 = arith.constant 0 : i32
    %dma_start3A_65 = arith.constant 0 : i32
    %dma_start3A_66 = tpu.memref_slice %arg6[%dma_start3A_63, %dma_start3A_64, %dma_start3A_65] : memref<8x50x128xf32, #tpu.memory_space<vmem>> -> memref<1x50x128xf32, #tpu.memory_space<vmem>>
    %dma_start3A_67 = tpu.memref_squeeze %dma_start3A_66 : memref<1x50x128xf32, #tpu.memory_space<vmem>> -> memref<50x128xf32, #tpu.memory_space<vmem>>
    %dma_start3A_68 = arith.constant 0 : i32
    %dma_start3A_69 = tpu.memref_slice %arg5[%dma_start3A_62, %dma_start3A_68] : memref<128x128xi32, #tpu.memory_space<vmem>> -> memref<1x50xi32, #tpu.memory_space<vmem>>
    %dma_start3A_70 = tpu.memref_squeeze %dma_start3A_69 : memref<1x50xi32, #tpu.memory_space<vmem>> -> memref<50xi32, #tpu.memory_space<vmem>>
    %dma_start3A_71 = arith.constant 0 : i32
    %dma_start3A_72 = arith.constant 0 : i32
    %dma_start3A_73 = tpu.memref_slice %arg2[%dma_start3A_71, %dma_start3A_72] : memref<100000x128xf32, #tpu.memory_space<hbm>> -> memref<100000x128xf32, #tpu.memory_space<hbm>>
    tpu.enqueue_indirect_dma source(%dma_start3A_73 : memref<100000x128xf32, #tpu.memory_space<hbm>>) target(%dma_start3A_67 : memref<50x128xf32, #tpu.memory_space<vmem>>) offsets(%dma_start3A_70 : memref<50xi32, #tpu.memory_space<vmem>>) semaphore(%arg12 : memref<!tpu.dma_semaphore, #tpu.memory_space<semaphore_mem>>)
    %dma_start3A_74 = arith.constant 6 : i32
    %dma_start3A_75 = arith.constant 6 : i32
    %dma_start3A_76 = arith.constant 0 : i32
    %dma_start3A_77 = arith.constant 0 : i32
    %dma_start3A_78 = tpu.memref_slice %arg6[%dma_start3A_75, %dma_start3A_76, %dma_start3A_77] : memref<8x50x128xf32, #tpu.memory_space<vmem>> -> memref<1x50x128xf32, #tpu.memory_space<vmem>>
    %dma_start3A_79 = tpu.memref_squeeze %dma_start3A_78 : memref<1x50x128xf32, #tpu.memory_space<vmem>> -> memref<50x128xf32, #tpu.memory_space<vmem>>
    %dma_start3A_80 = arith.constant 0 : i32
    %dma_start3A_81 = tpu.memref_slice %arg5[%dma_start3A_74, %dma_start3A_80] : memref<128x128xi32, #tpu.memory_space<vmem>> -> memref<1x50xi32, #tpu.memory_space<vmem>>
    %dma_start3A_82 = tpu.memref_squeeze %dma_start3A_81 : memref<1x50xi32, #tpu.memory_space<vmem>> -> memref<50xi32, #tpu.memory_space<vmem>>
    %dma_start3A_83 = arith.constant 0 : i32
    %dma_start3A_84 = arith.constant 0 : i32
    %dma_start3A_85 = tpu.memref_slice %arg2[%dma_start3A_83, %dma_start3A_84] : memref<100000x128xf32, #tpu.memory_space<hbm>> -> memref<100000x128xf32, #tpu.memory_space<hbm>>
    tpu.enqueue_indirect_dma source(%dma_start3A_85 : memref<100000x128xf32, #tpu.memory_space<hbm>>) target(%dma_start3A_79 : memref<50x128xf32, #tpu.memory_space<vmem>>) offsets(%dma_start3A_82 : memref<50xi32, #tpu.memory_space<vmem>>) semaphore(%arg13 : memref<!tpu.dma_semaphore, #tpu.memory_space<semaphore_mem>>)
    %dma_start3A_86 = arith.constant 7 : i32
    %dma_start3A_87 = arith.constant 7 : i32
    %dma_start3A_88 = arith.constant 0 : i32
    %dma_start3A_89 = arith.constant 0 : i32
    %dma_start3A_90 = tpu.memref_slice %arg6[%dma_start3A_87, %dma_start3A_88, %dma_start3A_89] : memref<8x50x128xf32, #tpu.memory_space<vmem>> -> memref<1x50x128xf32, #tpu.memory_space<vmem>>
    %dma_start3A_91 = tpu.memref_squeeze %dma_start3A_90 : memref<1x50x128xf32, #tpu.memory_space<vmem>> -> memref<50x128xf32, #tpu.memory_space<vmem>>
    %dma_start3A_92 = arith.constant 0 : i32
    %dma_start3A_93 = tpu.memref_slice %arg5[%dma_start3A_86, %dma_start3A_92] : memref<128x128xi32, #tpu.memory_space<vmem>> -> memref<1x50xi32, #tpu.memory_space<vmem>>
    %dma_start3A_94 = tpu.memref_squeeze %dma_start3A_93 : memref<1x50xi32, #tpu.memory_space<vmem>> -> memref<50xi32, #tpu.memory_space<vmem>>
    %dma_start3A_95 = arith.constant 0 : i32
    %dma_start3A_96 = arith.constant 0 : i32
    %dma_start3A_97 = tpu.memref_slice %arg2[%dma_start3A_95, %dma_start3A_96] : memref<100000x128xf32, #tpu.memory_space<hbm>> -> memref<100000x128xf32, #tpu.memory_space<hbm>>
    tpu.enqueue_indirect_dma source(%dma_start3A_97 : memref<100000x128xf32, #tpu.memory_space<hbm>>) target(%dma_start3A_91 : memref<50x128xf32, #tpu.memory_space<vmem>>) offsets(%dma_start3A_94 : memref<50xi32, #tpu.memory_space<vmem>>) semaphore(%arg14 : memref<!tpu.dma_semaphore, #tpu.memory_space<semaphore_mem>>)
    %scan3A = arith.constant 0 : i32
    %scan3A_98 = arith.constant 0 : i32
    %scan3A_99 = arith.constant 15 : i32
    %scan3A_100 = arith.addi %scan3A_98, %scan3A_99 : i32
    %scan3A_101 = arith.constant 1 : i32
    scf.for %scan3A_486 = %scan3A_98 to %scan3A_100 step %scan3A_101  : i32 {
      %mul3A_487 = arith.constant 8 : i32
      %mul3A_488 = arith.muli %scan3A_486, %mul3A_487 : i32
      %add3A_489 = arith.constant 0 : i32
      %add3A_490 = arith.addi %mul3A_488, %add3A_489 : i32
      %dma_wait3A_491 = arith.constant 0 : i32
      %dma_wait3A_492 = arith.constant 0 : i32
      %dma_wait3A_493 = arith.constant 0 : i32
      %dma_wait3A_494 = tpu.memref_slice %arg6[%dma_wait3A_491, %dma_wait3A_492, %dma_wait3A_493] : memref<8x50x128xf32, #tpu.memory_space<vmem>> -> memref<1x50x128xf32, #tpu.memory_space<vmem>>
      %dma_wait3A_495 = tpu.memref_squeeze %dma_wait3A_494 : memref<1x50x128xf32, #tpu.memory_space<vmem>> -> memref<50x128xf32, #tpu.memory_space<vmem>>
      %dma_wait3A_496 = arith.constant 0 : i32
      %dma_wait3A_497 = tpu.memref_slice %arg5[%add3A_490, %dma_wait3A_496] : memref<128x128xi32, #tpu.memory_space<vmem>> -> memref<1x50xi32, #tpu.memory_space<vmem>>
      %dma_wait3A_498 = tpu.memref_squeeze %dma_wait3A_497 : memref<1x50xi32, #tpu.memory_space<vmem>> -> memref<50xi32, #tpu.memory_space<vmem>>
      %dma_wait3A_499 = arith.constant 0 : i32
      %dma_wait3A_500 = arith.constant 0 : i32
      %dma_wait3A_501 = tpu.memref_slice %arg2[%dma_wait3A_499, %dma_wait3A_500] : memref<100000x128xf32, #tpu.memory_space<hbm>> -> memref<100000x128xf32, #tpu.memory_space<hbm>>
      tpu.wait_indirect_dma semaphore(%arg7 : memref<!tpu.dma_semaphore, #tpu.memory_space<semaphore_mem>>) src(%dma_wait3A_501 : memref<100000x128xf32, #tpu.memory_space<hbm>>) dst(%dma_wait3A_495 : memref<50x128xf32, #tpu.memory_space<vmem>>)
      %mul3A_502 = arith.constant 8 : i32
      %mul3A_503 = arith.muli %scan3A_486, %mul3A_502 : i32
      %add3A_504 = arith.constant 0 : i32
      %add3A_505 = arith.addi %mul3A_503, %add3A_504 : i32
      %add3A_506 = arith.addi %mul3A_2, %add3A_505 : i32
      %dma_start3A_507 = arith.constant 0 : i32
      %dma_start3A_508 = arith.constant 0 : i32
      %dma_start3A_509 = arith.constant 0 : i32
      %dma_start3A_510 = tpu.memref_slice %arg6[%dma_start3A_507, %dma_start3A_508, %dma_start3A_509] : memref<8x50x128xf32, #tpu.memory_space<vmem>> -> memref<1x50x128xf32, #tpu.memory_space<vmem>>
      %dma_start3A_511 = tpu.memref_squeeze %dma_start3A_510 : memref<1x50x128xf32, #tpu.memory_space<vmem>> -> memref<50x128xf32, #tpu.memory_space<vmem>>
      %dma_start3A_512 = arith.constant 0 : i32
      %dma_start3A_513 = arith.constant 0 : i32
      %dma_start3A_514 = tpu.memref_slice %arg4[%add3A_506, %dma_start3A_512, %dma_start3A_513] : memref<4096x50x128xf32, #tpu.memory_space<hbm>> -> memref<1x50x128xf32, #tpu.memory_space<hbm>>
      %dma_start3A_515 = tpu.memref_squeeze %dma_start3A_514 : memref<1x50x128xf32, #tpu.memory_space<hbm>> -> memref<50x128xf32, #tpu.memory_space<hbm>>
      %dma_start3A_516 = arith.constant 0 : i32
      %dma_start3A_517 = arith.constant 0 : i32
      %dma_start3A_518 = tpu.memref_slice %arg4[%add3A_506, %dma_start3A_516, %dma_start3A_517] : memref<4096x50x128xf32, #tpu.memory_space<hbm>> -> memref<1x50x128xf32, #tpu.memory_space<hbm>>
      %dma_start3A_519 = tpu.memref_squeeze %dma_start3A_518 : memref<1x50x128xf32, #tpu.memory_space<hbm>> -> memref<50x128xf32, #tpu.memory_space<hbm>>
      %dma_start3A_520 = arith.constant 0 : i32
      %dma_start3A_521 = arith.constant 0 : i32
      %dma_start3A_522 = tpu.memref_slice %arg6[%dma_start3A_507, %dma_start3A_520, %dma_start3A_521] : memref<8x50x128xf32, #tpu.memory_space<vmem>> -> memref<1x50x128xf32, #tpu.memory_space<vmem>>
      %dma_start3A_523 = tpu.memref_squeeze %dma_start3A_522 : memref<1x50x128xf32, #tpu.memory_space<vmem>> -> memref<50x128xf32, #tpu.memory_space<vmem>>
      tpu.enqueue_dma source(%dma_start3A_523 : memref<50x128xf32, #tpu.memory_space<vmem>>) target(%dma_start3A_519 : memref<50x128xf32, #tpu.memory_space<hbm>>) target_semaphore(%arg15 : memref<!tpu.dma_semaphore, #tpu.memory_space<semaphore_mem>>)
      %mul3A_524 = arith.constant 8 : i32
      %mul3A_525 = arith.muli %scan3A_486, %mul3A_524 : i32
      %add3A_526 = arith.constant 1 : i32
      %add3A_527 = arith.addi %mul3A_525, %add3A_526 : i32
      %dma_wait3A_528 = arith.constant 1 : i32
      %dma_wait3A_529 = arith.constant 0 : i32
      %dma_wait3A_530 = arith.constant 0 : i32
      %dma_wait3A_531 = tpu.memref_slice %arg6[%dma_wait3A_528, %dma_wait3A_529, %dma_wait3A_530] : memref<8x50x128xf32, #tpu.memory_space<vmem>> -> memref<1x50x128xf32, #tpu.memory_space<vmem>>
      %dma_wait3A_532 = tpu.memref_squeeze %dma_wait3A_531 : memref<1x50x128xf32, #tpu.memory_space<vmem>> -> memref<50x128xf32, #tpu.memory_space<vmem>>
      %dma_wait3A_533 = arith.constant 0 : i32
      %dma_wait3A_534 = tpu.memref_slice %arg5[%add3A_527, %dma_wait3A_533] : memref<128x128xi32, #tpu.memory_space<vmem>> -> memref<1x50xi32, #tpu.memory_space<vmem>>
      %dma_wait3A_535 = tpu.memref_squeeze %dma_wait3A_534 : memref<1x50xi32, #tpu.memory_space<vmem>> -> memref<50xi32, #tpu.memory_space<vmem>>
      %dma_wait3A_536 = arith.constant 0 : i32
      %dma_wait3A_537 = arith.constant 0 : i32
      %dma_wait3A_538 = tpu.memref_slice %arg2[%dma_wait3A_536, %dma_wait3A_537] : memref<100000x128xf32, #tpu.memory_space<hbm>> -> memref<100000x128xf32, #tpu.memory_space<hbm>>
      tpu.wait_indirect_dma semaphore(%arg8 : memref<!tpu.dma_semaphore, #tpu.memory_space<semaphore_mem>>) src(%dma_wait3A_538 : memref<100000x128xf32, #tpu.memory_space<hbm>>) dst(%dma_wait3A_532 : memref<50x128xf32, #tpu.memory_space<vmem>>)
      %mul3A_539 = arith.constant 8 : i32
      %mul3A_540 = arith.muli %scan3A_486, %mul3A_539 : i32
      %add3A_541 = arith.constant 1 : i32
      %add3A_542 = arith.addi %mul3A_540, %add3A_541 : i32
      %add3A_543 = arith.addi %mul3A_2, %add3A_542 : i32
      %dma_start3A_544 = arith.constant 1 : i32
      %dma_start3A_545 = arith.constant 0 : i32
      %dma_start3A_546 = arith.constant 0 : i32
      %dma_start3A_547 = tpu.memref_slice %arg6[%dma_start3A_544, %dma_start3A_545, %dma_start3A_546] : memref<8x50x128xf32, #tpu.memory_space<vmem>> -> memref<1x50x128xf32, #tpu.memory_space<vmem>>
      %dma_start3A_548 = tpu.memref_squeeze %dma_start3A_547 : memref<1x50x128xf32, #tpu.memory_space<vmem>> -> memref<50x128xf32, #tpu.memory_space<vmem>>
      %dma_start3A_549 = arith.constant 0 : i32
      %dma_start3A_550 = arith.constant 0 : i32
      %dma_start3A_551 = tpu.memref_slice %arg4[%add3A_543, %dma_start3A_549, %dma_start3A_550] : memref<4096x50x128xf32, #tpu.memory_space<hbm>> -> memref<1x50x128xf32, #tpu.memory_space<hbm>>
      %dma_start3A_552 = tpu.memref_squeeze %dma_start3A_551 : memref<1x50x128xf32, #tpu.memory_space<hbm>> -> memref<50x128xf32, #tpu.memory_space<hbm>>
      %dma_start3A_553 = arith.constant 0 : i32
      %dma_start3A_554 = arith.constant 0 : i32
      %dma_start3A_555 = tpu.memref_slice %arg4[%add3A_543, %dma_start3A_553, %dma_start3A_554] : memref<4096x50x128xf32, #tpu.memory_space<hbm>> -> memref<1x50x128xf32, #tpu.memory_space<hbm>>
      %dma_start3A_556 = tpu.memref_squeeze %dma_start3A_555 : memref<1x50x128xf32, #tpu.memory_space<hbm>> -> memref<50x128xf32, #tpu.memory_space<hbm>>
      %dma_start3A_557 = arith.constant 0 : i32
      %dma_start3A_558 = arith.constant 0 : i32
      %dma_start3A_559 = tpu.memref_slice %arg6[%dma_start3A_544, %dma_start3A_557, %dma_start3A_558] : memref<8x50x128xf32, #tpu.memory_space<vmem>> -> memref<1x50x128xf32, #tpu.memory_space<vmem>>
      %dma_start3A_560 = tpu.memref_squeeze %dma_start3A_559 : memref<1x50x128xf32, #tpu.memory_space<vmem>> -> memref<50x128xf32, #tpu.memory_space<vmem>>
      tpu.enqueue_dma source(%dma_start3A_560 : memref<50x128xf32, #tpu.memory_space<vmem>>) target(%dma_start3A_556 : memref<50x128xf32, #tpu.memory_space<hbm>>) target_semaphore(%arg16 : memref<!tpu.dma_semaphore, #tpu.memory_space<semaphore_mem>>)
      %mul3A_561 = arith.constant 8 : i32
      %mul3A_562 = arith.muli %scan3A_486, %mul3A_561 : i32
      %add3A_563 = arith.constant 2 : i32
      %add3A_564 = arith.addi %mul3A_562, %add3A_563 : i32
      %dma_wait3A_565 = arith.constant 2 : i32
      %dma_wait3A_566 = arith.constant 0 : i32
      %dma_wait3A_567 = arith.constant 0 : i32
      %dma_wait3A_568 = tpu.memref_slice %arg6[%dma_wait3A_565, %dma_wait3A_566, %dma_wait3A_567] : memref<8x50x128xf32, #tpu.memory_space<vmem>> -> memref<1x50x128xf32, #tpu.memory_space<vmem>>
      %dma_wait3A_569 = tpu.memref_squeeze %dma_wait3A_568 : memref<1x50x128xf32, #tpu.memory_space<vmem>> -> memref<50x128xf32, #tpu.memory_space<vmem>>
      %dma_wait3A_570 = arith.constant 0 : i32
      %dma_wait3A_571 = tpu.memref_slice %arg5[%add3A_564, %dma_wait3A_570] : memref<128x128xi32, #tpu.memory_space<vmem>> -> memref<1x50xi32, #tpu.memory_space<vmem>>
      %dma_wait3A_572 = tpu.memref_squeeze %dma_wait3A_571 : memref<1x50xi32, #tpu.memory_space<vmem>> -> memref<50xi32, #tpu.memory_space<vmem>>
      %dma_wait3A_573 = arith.constant 0 : i32
      %dma_wait3A_574 = arith.constant 0 : i32
      %dma_wait3A_575 = tpu.memref_slice %arg2[%dma_wait3A_573, %dma_wait3A_574] : memref<100000x128xf32, #tpu.memory_space<hbm>> -> memref<100000x128xf32, #tpu.memory_space<hbm>>
      tpu.wait_indirect_dma semaphore(%arg9 : memref<!tpu.dma_semaphore, #tpu.memory_space<semaphore_mem>>) src(%dma_wait3A_575 : memref<100000x128xf32, #tpu.memory_space<hbm>>) dst(%dma_wait3A_569 : memref<50x128xf32, #tpu.memory_space<vmem>>)
      %mul3A_576 = arith.constant 8 : i32
      %mul3A_577 = arith.muli %scan3A_486, %mul3A_576 : i32
      %add3A_578 = arith.constant 2 : i32
      %add3A_579 = arith.addi %mul3A_577, %add3A_578 : i32
      %add3A_580 = arith.addi %mul3A_2, %add3A_579 : i32
      %dma_start3A_581 = arith.constant 2 : i32
      %dma_start3A_582 = arith.constant 0 : i32
      %dma_start3A_583 = arith.constant 0 : i32
      %dma_start3A_584 = tpu.memref_slice %arg6[%dma_start3A_581, %dma_start3A_582, %dma_start3A_583] : memref<8x50x128xf32, #tpu.memory_space<vmem>> -> memref<1x50x128xf32, #tpu.memory_space<vmem>>
      %dma_start3A_585 = tpu.memref_squeeze %dma_start3A_584 : memref<1x50x128xf32, #tpu.memory_space<vmem>> -> memref<50x128xf32, #tpu.memory_space<vmem>>
      %dma_start3A_586 = arith.constant 0 : i32
      %dma_start3A_587 = arith.constant 0 : i32
      %dma_start3A_588 = tpu.memref_slice %arg4[%add3A_580, %dma_start3A_586, %dma_start3A_587] : memref<4096x50x128xf32, #tpu.memory_space<hbm>> -> memref<1x50x128xf32, #tpu.memory_space<hbm>>
      %dma_start3A_589 = tpu.memref_squeeze %dma_start3A_588 : memref<1x50x128xf32, #tpu.memory_space<hbm>> -> memref<50x128xf32, #tpu.memory_space<hbm>>
      %dma_start3A_590 = arith.constant 0 : i32
      %dma_start3A_591 = arith.constant 0 : i32
      %dma_start3A_592 = tpu.memref_slice %arg4[%add3A_580, %dma_start3A_590, %dma_start3A_591] : memref<4096x50x128xf32, #tpu.memory_space<hbm>> -> memref<1x50x128xf32, #tpu.memory_space<hbm>>
      %dma_start3A_593 = tpu.memref_squeeze %dma_start3A_592 : memref<1x50x128xf32, #tpu.memory_space<hbm>> -> memref<50x128xf32, #tpu.memory_space<hbm>>
      %dma_start3A_594 = arith.constant 0 : i32
      %dma_start3A_595 = arith.constant 0 : i32
      %dma_start3A_596 = tpu.memref_slice %arg6[%dma_start3A_581, %dma_start3A_594, %dma_start3A_595] : memref<8x50x128xf32, #tpu.memory_space<vmem>> -> memref<1x50x128xf32, #tpu.memory_space<vmem>>
      %dma_start3A_597 = tpu.memref_squeeze %dma_start3A_596 : memref<1x50x128xf32, #tpu.memory_space<vmem>> -> memref<50x128xf32, #tpu.memory_space<vmem>>
      tpu.enqueue_dma source(%dma_start3A_597 : memref<50x128xf32, #tpu.memory_space<vmem>>) target(%dma_start3A_593 : memref<50x128xf32, #tpu.memory_space<hbm>>) target_semaphore(%arg17 : memref<!tpu.dma_semaphore, #tpu.memory_space<semaphore_mem>>)
      %mul3A_598 = arith.constant 8 : i32
      %mul3A_599 = arith.muli %scan3A_486, %mul3A_598 : i32
      %add3A_600 = arith.constant 3 : i32
      %add3A_601 = arith.addi %mul3A_599, %add3A_600 : i32
      %dma_wait3A_602 = arith.constant 3 : i32
      %dma_wait3A_603 = arith.constant 0 : i32
      %dma_wait3A_604 = arith.constant 0 : i32
      %dma_wait3A_605 = tpu.memref_slice %arg6[%dma_wait3A_602, %dma_wait3A_603, %dma_wait3A_604] : memref<8x50x128xf32, #tpu.memory_space<vmem>> -> memref<1x50x128xf32, #tpu.memory_space<vmem>>
      %dma_wait3A_606 = tpu.memref_squeeze %dma_wait3A_605 : memref<1x50x128xf32, #tpu.memory_space<vmem>> -> memref<50x128xf32, #tpu.memory_space<vmem>>
      %dma_wait3A_607 = arith.constant 0 : i32
      %dma_wait3A_608 = tpu.memref_slice %arg5[%add3A_601, %dma_wait3A_607] : memref<128x128xi32, #tpu.memory_space<vmem>> -> memref<1x50xi32, #tpu.memory_space<vmem>>
      %dma_wait3A_609 = tpu.memref_squeeze %dma_wait3A_608 : memref<1x50xi32, #tpu.memory_space<vmem>> -> memref<50xi32, #tpu.memory_space<vmem>>
      %dma_wait3A_610 = arith.constant 0 : i32
      %dma_wait3A_611 = arith.constant 0 : i32
      %dma_wait3A_612 = tpu.memref_slice %arg2[%dma_wait3A_610, %dma_wait3A_611] : memref<100000x128xf32, #tpu.memory_space<hbm>> -> memref<100000x128xf32, #tpu.memory_space<hbm>>
      tpu.wait_indirect_dma semaphore(%arg10 : memref<!tpu.dma_semaphore, #tpu.memory_space<semaphore_mem>>) src(%dma_wait3A_612 : memref<100000x128xf32, #tpu.memory_space<hbm>>) dst(%dma_wait3A_606 : memref<50x128xf32, #tpu.memory_space<vmem>>)
      %mul3A_613 = arith.constant 8 : i32
      %mul3A_614 = arith.muli %scan3A_486, %mul3A_613 : i32
      %add3A_615 = arith.constant 3 : i32
      %add3A_616 = arith.addi %mul3A_614, %add3A_615 : i32
      %add3A_617 = arith.addi %mul3A_2, %add3A_616 : i32
      %dma_start3A_618 = arith.constant 3 : i32
      %dma_start3A_619 = arith.constant 0 : i32
      %dma_start3A_620 = arith.constant 0 : i32
      %dma_start3A_621 = tpu.memref_slice %arg6[%dma_start3A_618, %dma_start3A_619, %dma_start3A_620] : memref<8x50x128xf32, #tpu.memory_space<vmem>> -> memref<1x50x128xf32, #tpu.memory_space<vmem>>
      %dma_start3A_622 = tpu.memref_squeeze %dma_start3A_621 : memref<1x50x128xf32, #tpu.memory_space<vmem>> -> memref<50x128xf32, #tpu.memory_space<vmem>>
      %dma_start3A_623 = arith.constant 0 : i32
      %dma_start3A_624 = arith.constant 0 : i32
      %dma_start3A_625 = tpu.memref_slice %arg4[%add3A_617, %dma_start3A_623, %dma_start3A_624] : memref<4096x50x128xf32, #tpu.memory_space<hbm>> -> memref<1x50x128xf32, #tpu.memory_space<hbm>>
      %dma_start3A_626 = tpu.memref_squeeze %dma_start3A_625 : memref<1x50x128xf32, #tpu.memory_space<hbm>> -> memref<50x128xf32, #tpu.memory_space<hbm>>
      %dma_start3A_627 = arith.constant 0 : i32
      %dma_start3A_628 = arith.constant 0 : i32
      %dma_start3A_629 = tpu.memref_slice %arg4[%add3A_617, %dma_start3A_627, %dma_start3A_628] : memref<4096x50x128xf32, #tpu.memory_space<hbm>> -> memref<1x50x128xf32, #tpu.memory_space<hbm>>
      %dma_start3A_630 = tpu.memref_squeeze %dma_start3A_629 : memref<1x50x128xf32, #tpu.memory_space<hbm>> -> memref<50x128xf32, #tpu.memory_space<hbm>>
      %dma_start3A_631 = arith.constant 0 : i32
      %dma_start3A_632 = arith.constant 0 : i32
      %dma_start3A_633 = tpu.memref_slice %arg6[%dma_start3A_618, %dma_start3A_631, %dma_start3A_632] : memref<8x50x128xf32, #tpu.memory_space<vmem>> -> memref<1x50x128xf32, #tpu.memory_space<vmem>>
      %dma_start3A_634 = tpu.memref_squeeze %dma_start3A_633 : memref<1x50x128xf32, #tpu.memory_space<vmem>> -> memref<50x128xf32, #tpu.memory_space<vmem>>
      tpu.enqueue_dma source(%dma_start3A_634 : memref<50x128xf32, #tpu.memory_space<vmem>>) target(%dma_start3A_630 : memref<50x128xf32, #tpu.memory_space<hbm>>) target_semaphore(%arg18 : memref<!tpu.dma_semaphore, #tpu.memory_space<semaphore_mem>>)
      %mul3A_635 = arith.constant 8 : i32
      %mul3A_636 = arith.muli %scan3A_486, %mul3A_635 : i32
      %add3A_637 = arith.constant 4 : i32
      %add3A_638 = arith.addi %mul3A_636, %add3A_637 : i32
      %dma_wait3A_639 = arith.constant 4 : i32
      %dma_wait3A_640 = arith.constant 0 : i32
      %dma_wait3A_641 = arith.constant 0 : i32
      %dma_wait3A_642 = tpu.memref_slice %arg6[%dma_wait3A_639, %dma_wait3A_640, %dma_wait3A_641] : memref<8x50x128xf32, #tpu.memory_space<vmem>> -> memref<1x50x128xf32, #tpu.memory_space<vmem>>
      %dma_wait3A_643 = tpu.memref_squeeze %dma_wait3A_642 : memref<1x50x128xf32, #tpu.memory_space<vmem>> -> memref<50x128xf32, #tpu.memory_space<vmem>>
      %dma_wait3A_644 = arith.constant 0 : i32
      %dma_wait3A_645 = tpu.memref_slice %arg5[%add3A_638, %dma_wait3A_644] : memref<128x128xi32, #tpu.memory_space<vmem>> -> memref<1x50xi32, #tpu.memory_space<vmem>>
      %dma_wait3A_646 = tpu.memref_squeeze %dma_wait3A_645 : memref<1x50xi32, #tpu.memory_space<vmem>> -> memref<50xi32, #tpu.memory_space<vmem>>
      %dma_wait3A_647 = arith.constant 0 : i32
      %dma_wait3A_648 = arith.constant 0 : i32
      %dma_wait3A_649 = tpu.memref_slice %arg2[%dma_wait3A_647, %dma_wait3A_648] : memref<100000x128xf32, #tpu.memory_space<hbm>> -> memref<100000x128xf32, #tpu.memory_space<hbm>>
      tpu.wait_indirect_dma semaphore(%arg11 : memref<!tpu.dma_semaphore, #tpu.memory_space<semaphore_mem>>) src(%dma_wait3A_649 : memref<100000x128xf32, #tpu.memory_space<hbm>>) dst(%dma_wait3A_643 : memref<50x128xf32, #tpu.memory_space<vmem>>)
      %mul3A_650 = arith.constant 8 : i32
      %mul3A_651 = arith.muli %scan3A_486, %mul3A_650 : i32
      %add3A_652 = arith.constant 4 : i32
      %add3A_653 = arith.addi %mul3A_651, %add3A_652 : i32
      %add3A_654 = arith.addi %mul3A_2, %add3A_653 : i32
      %dma_start3A_655 = arith.constant 4 : i32
      %dma_start3A_656 = arith.constant 0 : i32
      %dma_start3A_657 = arith.constant 0 : i32
      %dma_start3A_658 = tpu.memref_slice %arg6[%dma_start3A_655, %dma_start3A_656, %dma_start3A_657] : memref<8x50x128xf32, #tpu.memory_space<vmem>> -> memref<1x50x128xf32, #tpu.memory_space<vmem>>
      %dma_start3A_659 = tpu.memref_squeeze %dma_start3A_658 : memref<1x50x128xf32, #tpu.memory_space<vmem>> -> memref<50x128xf32, #tpu.memory_space<vmem>>
      %dma_start3A_660 = arith.constant 0 : i32
      %dma_start3A_661 = arith.constant 0 : i32
      %dma_start3A_662 = tpu.memref_slice %arg4[%add3A_654, %dma_start3A_660, %dma_start3A_661] : memref<4096x50x128xf32, #tpu.memory_space<hbm>> -> memref<1x50x128xf32, #tpu.memory_space<hbm>>
      %dma_start3A_663 = tpu.memref_squeeze %dma_start3A_662 : memref<1x50x128xf32, #tpu.memory_space<hbm>> -> memref<50x128xf32, #tpu.memory_space<hbm>>
      %dma_start3A_664 = arith.constant 0 : i32
      %dma_start3A_665 = arith.constant 0 : i32
      %dma_start3A_666 = tpu.memref_slice %arg4[%add3A_654, %dma_start3A_664, %dma_start3A_665] : memref<4096x50x128xf32, #tpu.memory_space<hbm>> -> memref<1x50x128xf32, #tpu.memory_space<hbm>>
      %dma_start3A_667 = tpu.memref_squeeze %dma_start3A_666 : memref<1x50x128xf32, #tpu.memory_space<hbm>> -> memref<50x128xf32, #tpu.memory_space<hbm>>
      %dma_start3A_668 = arith.constant 0 : i32
      %dma_start3A_669 = arith.constant 0 : i32
      %dma_start3A_670 = tpu.memref_slice %arg6[%dma_start3A_655, %dma_start3A_668, %dma_start3A_669] : memref<8x50x128xf32, #tpu.memory_space<vmem>> -> memref<1x50x128xf32, #tpu.memory_space<vmem>>
      %dma_start3A_671 = tpu.memref_squeeze %dma_start3A_670 : memref<1x50x128xf32, #tpu.memory_space<vmem>> -> memref<50x128xf32, #tpu.memory_space<vmem>>
      tpu.enqueue_dma source(%dma_start3A_671 : memref<50x128xf32, #tpu.memory_space<vmem>>) target(%dma_start3A_667 : memref<50x128xf32, #tpu.memory_space<hbm>>) target_semaphore(%arg19 : memref<!tpu.dma_semaphore, #tpu.memory_space<semaphore_mem>>)
      %mul3A_672 = arith.constant 8 : i32
      %mul3A_673 = arith.muli %scan3A_486, %mul3A_672 : i32
      %add3A_674 = arith.constant 5 : i32
      %add3A_675 = arith.addi %mul3A_673, %add3A_674 : i32
      %dma_wait3A_676 = arith.constant 5 : i32
      %dma_wait3A_677 = arith.constant 0 : i32
      %dma_wait3A_678 = arith.constant 0 : i32
      %dma_wait3A_679 = tpu.memref_slice %arg6[%dma_wait3A_676, %dma_wait3A_677, %dma_wait3A_678] : memref<8x50x128xf32, #tpu.memory_space<vmem>> -> memref<1x50x128xf32, #tpu.memory_space<vmem>>
      %dma_wait3A_680 = tpu.memref_squeeze %dma_wait3A_679 : memref<1x50x128xf32, #tpu.memory_space<vmem>> -> memref<50x128xf32, #tpu.memory_space<vmem>>
      %dma_wait3A_681 = arith.constant 0 : i32
      %dma_wait3A_682 = tpu.memref_slice %arg5[%add3A_675, %dma_wait3A_681] : memref<128x128xi32, #tpu.memory_space<vmem>> -> memref<1x50xi32, #tpu.memory_space<vmem>>
      %dma_wait3A_683 = tpu.memref_squeeze %dma_wait3A_682 : memref<1x50xi32, #tpu.memory_space<vmem>> -> memref<50xi32, #tpu.memory_space<vmem>>
      %dma_wait3A_684 = arith.constant 0 : i32
      %dma_wait3A_685 = arith.constant 0 : i32
      %dma_wait3A_686 = tpu.memref_slice %arg2[%dma_wait3A_684, %dma_wait3A_685] : memref<100000x128xf32, #tpu.memory_space<hbm>> -> memref<100000x128xf32, #tpu.memory_space<hbm>>
      tpu.wait_indirect_dma semaphore(%arg12 : memref<!tpu.dma_semaphore, #tpu.memory_space<semaphore_mem>>) src(%dma_wait3A_686 : memref<100000x128xf32, #tpu.memory_space<hbm>>) dst(%dma_wait3A_680 : memref<50x128xf32, #tpu.memory_space<vmem>>)
      %mul3A_687 = arith.constant 8 : i32
      %mul3A_688 = arith.muli %scan3A_486, %mul3A_687 : i32
      %add3A_689 = arith.constant 5 : i32
      %add3A_690 = arith.addi %mul3A_688, %add3A_689 : i32
      %add3A_691 = arith.addi %mul3A_2, %add3A_690 : i32
      %dma_start3A_692 = arith.constant 5 : i32
      %dma_start3A_693 = arith.constant 0 : i32
      %dma_start3A_694 = arith.constant 0 : i32
      %dma_start3A_695 = tpu.memref_slice %arg6[%dma_start3A_692, %dma_start3A_693, %dma_start3A_694] : memref<8x50x128xf32, #tpu.memory_space<vmem>> -> memref<1x50x128xf32, #tpu.memory_space<vmem>>
      %dma_start3A_696 = tpu.memref_squeeze %dma_start3A_695 : memref<1x50x128xf32, #tpu.memory_space<vmem>> -> memref<50x128xf32, #tpu.memory_space<vmem>>
      %dma_start3A_697 = arith.constant 0 : i32
      %dma_start3A_698 = arith.constant 0 : i32
      %dma_start3A_699 = tpu.memref_slice %arg4[%add3A_691, %dma_start3A_697, %dma_start3A_698] : memref<4096x50x128xf32, #tpu.memory_space<hbm>> -> memref<1x50x128xf32, #tpu.memory_space<hbm>>
      %dma_start3A_700 = tpu.memref_squeeze %dma_start3A_699 : memref<1x50x128xf32, #tpu.memory_space<hbm>> -> memref<50x128xf32, #tpu.memory_space<hbm>>
      %dma_start3A_701 = arith.constant 0 : i32
      %dma_start3A_702 = arith.constant 0 : i32
      %dma_start3A_703 = tpu.memref_slice %arg4[%add3A_691, %dma_start3A_701, %dma_start3A_702] : memref<4096x50x128xf32, #tpu.memory_space<hbm>> -> memref<1x50x128xf32, #tpu.memory_space<hbm>>
      %dma_start3A_704 = tpu.memref_squeeze %dma_start3A_703 : memref<1x50x128xf32, #tpu.memory_space<hbm>> -> memref<50x128xf32, #tpu.memory_space<hbm>>
      %dma_start3A_705 = arith.constant 0 : i32
      %dma_start3A_706 = arith.constant 0 : i32
      %dma_start3A_707 = tpu.memref_slice %arg6[%dma_start3A_692, %dma_start3A_705, %dma_start3A_706] : memref<8x50x128xf32, #tpu.memory_space<vmem>> -> memref<1x50x128xf32, #tpu.memory_space<vmem>>
      %dma_start3A_708 = tpu.memref_squeeze %dma_start3A_707 : memref<1x50x128xf32, #tpu.memory_space<vmem>> -> memref<50x128xf32, #tpu.memory_space<vmem>>
      tpu.enqueue_dma source(%dma_start3A_708 : memref<50x128xf32, #tpu.memory_space<vmem>>) target(%dma_start3A_704 : memref<50x128xf32, #tpu.memory_space<hbm>>) target_semaphore(%arg20 : memref<!tpu.dma_semaphore, #tpu.memory_space<semaphore_mem>>)
      %mul3A_709 = arith.constant 8 : i32
      %mul3A_710 = arith.muli %scan3A_486, %mul3A_709 : i32
      %add3A_711 = arith.constant 6 : i32
      %add3A_712 = arith.addi %mul3A_710, %add3A_711 : i32
      %dma_wait3A_713 = arith.constant 6 : i32
      %dma_wait3A_714 = arith.constant 0 : i32
      %dma_wait3A_715 = arith.constant 0 : i32
      %dma_wait3A_716 = tpu.memref_slice %arg6[%dma_wait3A_713, %dma_wait3A_714, %dma_wait3A_715] : memref<8x50x128xf32, #tpu.memory_space<vmem>> -> memref<1x50x128xf32, #tpu.memory_space<vmem>>
      %dma_wait3A_717 = tpu.memref_squeeze %dma_wait3A_716 : memref<1x50x128xf32, #tpu.memory_space<vmem>> -> memref<50x128xf32, #tpu.memory_space<vmem>>
      %dma_wait3A_718 = arith.constant 0 : i32
      %dma_wait3A_719 = tpu.memref_slice %arg5[%add3A_712, %dma_wait3A_718] : memref<128x128xi32, #tpu.memory_space<vmem>> -> memref<1x50xi32, #tpu.memory_space<vmem>>
      %dma_wait3A_720 = tpu.memref_squeeze %dma_wait3A_719 : memref<1x50xi32, #tpu.memory_space<vmem>> -> memref<50xi32, #tpu.memory_space<vmem>>
      %dma_wait3A_721 = arith.constant 0 : i32
      %dma_wait3A_722 = arith.constant 0 : i32
      %dma_wait3A_723 = tpu.memref_slice %arg2[%dma_wait3A_721, %dma_wait3A_722] : memref<100000x128xf32, #tpu.memory_space<hbm>> -> memref<100000x128xf32, #tpu.memory_space<hbm>>
      tpu.wait_indirect_dma semaphore(%arg13 : memref<!tpu.dma_semaphore, #tpu.memory_space<semaphore_mem>>) src(%dma_wait3A_723 : memref<100000x128xf32, #tpu.memory_space<hbm>>) dst(%dma_wait3A_717 : memref<50x128xf32, #tpu.memory_space<vmem>>)
      %mul3A_724 = arith.constant 8 : i32
      %mul3A_725 = arith.muli %scan3A_486, %mul3A_724 : i32
      %add3A_726 = arith.constant 6 : i32
      %add3A_727 = arith.addi %mul3A_725, %add3A_726 : i32
      %add3A_728 = arith.addi %mul3A_2, %add3A_727 : i32
      %dma_start3A_729 = arith.constant 6 : i32
      %dma_start3A_730 = arith.constant 0 : i32
      %dma_start3A_731 = arith.constant 0 : i32
      %dma_start3A_732 = tpu.memref_slice %arg6[%dma_start3A_729, %dma_start3A_730, %dma_start3A_731] : memref<8x50x128xf32, #tpu.memory_space<vmem>> -> memref<1x50x128xf32, #tpu.memory_space<vmem>>
      %dma_start3A_733 = tpu.memref_squeeze %dma_start3A_732 : memref<1x50x128xf32, #tpu.memory_space<vmem>> -> memref<50x128xf32, #tpu.memory_space<vmem>>
      %dma_start3A_734 = arith.constant 0 : i32
      %dma_start3A_735 = arith.constant 0 : i32
      %dma_start3A_736 = tpu.memref_slice %arg4[%add3A_728, %dma_start3A_734, %dma_start3A_735] : memref<4096x50x128xf32, #tpu.memory_space<hbm>> -> memref<1x50x128xf32, #tpu.memory_space<hbm>>
      %dma_start3A_737 = tpu.memref_squeeze %dma_start3A_736 : memref<1x50x128xf32, #tpu.memory_space<hbm>> -> memref<50x128xf32, #tpu.memory_space<hbm>>
      %dma_start3A_738 = arith.constant 0 : i32
      %dma_start3A_739 = arith.constant 0 : i32
      %dma_start3A_740 = tpu.memref_slice %arg4[%add3A_728, %dma_start3A_738, %dma_start3A_739] : memref<4096x50x128xf32, #tpu.memory_space<hbm>> -> memref<1x50x128xf32, #tpu.memory_space<hbm>>
      %dma_start3A_741 = tpu.memref_squeeze %dma_start3A_740 : memref<1x50x128xf32, #tpu.memory_space<hbm>> -> memref<50x128xf32, #tpu.memory_space<hbm>>
      %dma_start3A_742 = arith.constant 0 : i32
      %dma_start3A_743 = arith.constant 0 : i32
      %dma_start3A_744 = tpu.memref_slice %arg6[%dma_start3A_729, %dma_start3A_742, %dma_start3A_743] : memref<8x50x128xf32, #tpu.memory_space<vmem>> -> memref<1x50x128xf32, #tpu.memory_space<vmem>>
      %dma_start3A_745 = tpu.memref_squeeze %dma_start3A_744 : memref<1x50x128xf32, #tpu.memory_space<vmem>> -> memref<50x128xf32, #tpu.memory_space<vmem>>
      tpu.enqueue_dma source(%dma_start3A_745 : memref<50x128xf32, #tpu.memory_space<vmem>>) target(%dma_start3A_741 : memref<50x128xf32, #tpu.memory_space<hbm>>) target_semaphore(%arg21 : memref<!tpu.dma_semaphore, #tpu.memory_space<semaphore_mem>>)
      %mul3A_746 = arith.constant 8 : i32
      %mul3A_747 = arith.muli %scan3A_486, %mul3A_746 : i32
      %add3A_748 = arith.constant 7 : i32
      %add3A_749 = arith.addi %mul3A_747, %add3A_748 : i32
      %dma_wait3A_750 = arith.constant 7 : i32
      %dma_wait3A_751 = arith.constant 0 : i32
      %dma_wait3A_752 = arith.constant 0 : i32
      %dma_wait3A_753 = tpu.memref_slice %arg6[%dma_wait3A_750, %dma_wait3A_751, %dma_wait3A_752] : memref<8x50x128xf32, #tpu.memory_space<vmem>> -> memref<1x50x128xf32, #tpu.memory_space<vmem>>
      %dma_wait3A_754 = tpu.memref_squeeze %dma_wait3A_753 : memref<1x50x128xf32, #tpu.memory_space<vmem>> -> memref<50x128xf32, #tpu.memory_space<vmem>>
      %dma_wait3A_755 = arith.constant 0 : i32
      %dma_wait3A_756 = tpu.memref_slice %arg5[%add3A_749, %dma_wait3A_755] : memref<128x128xi32, #tpu.memory_space<vmem>> -> memref<1x50xi32, #tpu.memory_space<vmem>>
      %dma_wait3A_757 = tpu.memref_squeeze %dma_wait3A_756 : memref<1x50xi32, #tpu.memory_space<vmem>> -> memref<50xi32, #tpu.memory_space<vmem>>
      %dma_wait3A_758 = arith.constant 0 : i32
      %dma_wait3A_759 = arith.constant 0 : i32
      %dma_wait3A_760 = tpu.memref_slice %arg2[%dma_wait3A_758, %dma_wait3A_759] : memref<100000x128xf32, #tpu.memory_space<hbm>> -> memref<100000x128xf32, #tpu.memory_space<hbm>>
      tpu.wait_indirect_dma semaphore(%arg14 : memref<!tpu.dma_semaphore, #tpu.memory_space<semaphore_mem>>) src(%dma_wait3A_760 : memref<100000x128xf32, #tpu.memory_space<hbm>>) dst(%dma_wait3A_754 : memref<50x128xf32, #tpu.memory_space<vmem>>)
      %mul3A_761 = arith.constant 8 : i32
      %mul3A_762 = arith.muli %scan3A_486, %mul3A_761 : i32
      %add3A_763 = arith.constant 7 : i32
      %add3A_764 = arith.addi %mul3A_762, %add3A_763 : i32
      %add3A_765 = arith.addi %mul3A_2, %add3A_764 : i32
      %dma_start3A_766 = arith.constant 7 : i32
      %dma_start3A_767 = arith.constant 0 : i32
      %dma_start3A_768 = arith.constant 0 : i32
      %dma_start3A_769 = tpu.memref_slice %arg6[%dma_start3A_766, %dma_start3A_767, %dma_start3A_768] : memref<8x50x128xf32, #tpu.memory_space<vmem>> -> memref<1x50x128xf32, #tpu.memory_space<vmem>>
      %dma_start3A_770 = tpu.memref_squeeze %dma_start3A_769 : memref<1x50x128xf32, #tpu.memory_space<vmem>> -> memref<50x128xf32, #tpu.memory_space<vmem>>
      %dma_start3A_771 = arith.constant 0 : i32
      %dma_start3A_772 = arith.constant 0 : i32
      %dma_start3A_773 = tpu.memref_slice %arg4[%add3A_765, %dma_start3A_771, %dma_start3A_772] : memref<4096x50x128xf32, #tpu.memory_space<hbm>> -> memref<1x50x128xf32, #tpu.memory_space<hbm>>
      %dma_start3A_774 = tpu.memref_squeeze %dma_start3A_773 : memref<1x50x128xf32, #tpu.memory_space<hbm>> -> memref<50x128xf32, #tpu.memory_space<hbm>>
      %dma_start3A_775 = arith.constant 0 : i32
      %dma_start3A_776 = arith.constant 0 : i32
      %dma_start3A_777 = tpu.memref_slice %arg4[%add3A_765, %dma_start3A_775, %dma_start3A_776] : memref<4096x50x128xf32, #tpu.memory_space<hbm>> -> memref<1x50x128xf32, #tpu.memory_space<hbm>>
      %dma_start3A_778 = tpu.memref_squeeze %dma_start3A_777 : memref<1x50x128xf32, #tpu.memory_space<hbm>> -> memref<50x128xf32, #tpu.memory_space<hbm>>
      %dma_start3A_779 = arith.constant 0 : i32
      %dma_start3A_780 = arith.constant 0 : i32
      %dma_start3A_781 = tpu.memref_slice %arg6[%dma_start3A_766, %dma_start3A_779, %dma_start3A_780] : memref<8x50x128xf32, #tpu.memory_space<vmem>> -> memref<1x50x128xf32, #tpu.memory_space<vmem>>
      %dma_start3A_782 = tpu.memref_squeeze %dma_start3A_781 : memref<1x50x128xf32, #tpu.memory_space<vmem>> -> memref<50x128xf32, #tpu.memory_space<vmem>>
      tpu.enqueue_dma source(%dma_start3A_782 : memref<50x128xf32, #tpu.memory_space<vmem>>) target(%dma_start3A_778 : memref<50x128xf32, #tpu.memory_space<hbm>>) target_semaphore(%arg22 : memref<!tpu.dma_semaphore, #tpu.memory_space<semaphore_mem>>)
      %dma_wait3A_783 = arith.constant 0 : i32
      %dma_wait3A_784 = arith.constant 0 : i32
      %dma_wait3A_785 = arith.constant 0 : i32
      %dma_wait3A_786 = tpu.memref_slice %arg6[%dma_wait3A_783, %dma_wait3A_784, %dma_wait3A_785] : memref<8x50x128xf32, #tpu.memory_space<vmem>> -> memref<1x50x128xf32, #tpu.memory_space<vmem>>
      %dma_wait3A_787 = tpu.memref_squeeze %dma_wait3A_786 : memref<1x50x128xf32, #tpu.memory_space<vmem>> -> memref<50x128xf32, #tpu.memory_space<vmem>>
      %dma_wait3A_788 = arith.constant 0 : i32
      %dma_wait3A_789 = arith.constant 0 : i32
      %dma_wait3A_790 = tpu.memref_slice %arg4[%add3A_506, %dma_wait3A_788, %dma_wait3A_789] : memref<4096x50x128xf32, #tpu.memory_space<hbm>> -> memref<1x50x128xf32, #tpu.memory_space<hbm>>
      %dma_wait3A_791 = tpu.memref_squeeze %dma_wait3A_790 : memref<1x50x128xf32, #tpu.memory_space<hbm>> -> memref<50x128xf32, #tpu.memory_space<hbm>>
      %dma_wait3A_792 = arith.constant 0 : i32
      %dma_wait3A_793 = arith.constant 0 : i32
      %dma_wait3A_794 = tpu.memref_slice %arg4[%add3A_506, %dma_wait3A_792, %dma_wait3A_793] : memref<4096x50x128xf32, #tpu.memory_space<hbm>> -> memref<1x50x128xf32, #tpu.memory_space<hbm>>
      %dma_wait3A_795 = tpu.memref_squeeze %dma_wait3A_794 : memref<1x50x128xf32, #tpu.memory_space<hbm>> -> memref<50x128xf32, #tpu.memory_space<hbm>>
      %dma_wait3A_796 = arith.constant 0 : i32
      %dma_wait3A_797 = arith.constant 0 : i32
      %dma_wait3A_798 = tpu.memref_slice %arg6[%dma_wait3A_783, %dma_wait3A_796, %dma_wait3A_797] : memref<8x50x128xf32, #tpu.memory_space<vmem>> -> memref<1x50x128xf32, #tpu.memory_space<vmem>>
      %dma_wait3A_799 = tpu.memref_squeeze %dma_wait3A_798 : memref<1x50x128xf32, #tpu.memory_space<vmem>> -> memref<50x128xf32, #tpu.memory_space<vmem>>
      tpu.wait_dma2 semaphore(%arg15 : memref<!tpu.dma_semaphore, #tpu.memory_space<semaphore_mem>>) src(%dma_wait3A_799 : memref<50x128xf32, #tpu.memory_space<vmem>>) dst(%dma_wait3A_795 : memref<50x128xf32, #tpu.memory_space<hbm>>)
      %mul3A_800 = arith.constant 8 : i32
      %mul3A_801 = arith.muli %scan3A_486, %mul3A_800 : i32
      %add3A_802 = arith.constant 0 : i32
      %add3A_803 = arith.addi %mul3A_801, %add3A_802 : i32
      %add3A_804 = arith.constant 8 : i32
      %add3A_805 = arith.addi %add3A_803, %add3A_804 : i32
      %dma_start3A_806 = arith.constant 0 : i32
      %dma_start3A_807 = arith.constant 0 : i32
      %dma_start3A_808 = arith.constant 0 : i32
      %dma_start3A_809 = tpu.memref_slice %arg6[%dma_start3A_806, %dma_start3A_807, %dma_start3A_808] : memref<8x50x128xf32, #tpu.memory_space<vmem>> -> memref<1x50x128xf32, #tpu.memory_space<vmem>>
      %dma_start3A_810 = tpu.memref_squeeze %dma_start3A_809 : memref<1x50x128xf32, #tpu.memory_space<vmem>> -> memref<50x128xf32, #tpu.memory_space<vmem>>
      %dma_start3A_811 = arith.constant 0 : i32
      %dma_start3A_812 = tpu.memref_slice %arg5[%add3A_805, %dma_start3A_811] : memref<128x128xi32, #tpu.memory_space<vmem>> -> memref<1x50xi32, #tpu.memory_space<vmem>>
      %dma_start3A_813 = tpu.memref_squeeze %dma_start3A_812 : memref<1x50xi32, #tpu.memory_space<vmem>> -> memref<50xi32, #tpu.memory_space<vmem>>
      %dma_start3A_814 = arith.constant 0 : i32
      %dma_start3A_815 = arith.constant 0 : i32
      %dma_start3A_816 = tpu.memref_slice %arg2[%dma_start3A_814, %dma_start3A_815] : memref<100000x128xf32, #tpu.memory_space<hbm>> -> memref<100000x128xf32, #tpu.memory_space<hbm>>
      tpu.enqueue_indirect_dma source(%dma_start3A_816 : memref<100000x128xf32, #tpu.memory_space<hbm>>) target(%dma_start3A_810 : memref<50x128xf32, #tpu.memory_space<vmem>>) offsets(%dma_start3A_813 : memref<50xi32, #tpu.memory_space<vmem>>) semaphore(%arg7 : memref<!tpu.dma_semaphore, #tpu.memory_space<semaphore_mem>>)
      %dma_wait3A_817 = arith.constant 1 : i32
      %dma_wait3A_818 = arith.constant 0 : i32
      %dma_wait3A_819 = arith.constant 0 : i32
      %dma_wait3A_820 = tpu.memref_slice %arg6[%dma_wait3A_817, %dma_wait3A_818, %dma_wait3A_819] : memref<8x50x128xf32, #tpu.memory_space<vmem>> -> memref<1x50x128xf32, #tpu.memory_space<vmem>>
      %dma_wait3A_821 = tpu.memref_squeeze %dma_wait3A_820 : memref<1x50x128xf32, #tpu.memory_space<vmem>> -> memref<50x128xf32, #tpu.memory_space<vmem>>
      %dma_wait3A_822 = arith.constant 0 : i32
      %dma_wait3A_823 = arith.constant 0 : i32
      %dma_wait3A_824 = tpu.memref_slice %arg4[%add3A_543, %dma_wait3A_822, %dma_wait3A_823] : memref<4096x50x128xf32, #tpu.memory_space<hbm>> -> memref<1x50x128xf32, #tpu.memory_space<hbm>>
      %dma_wait3A_825 = tpu.memref_squeeze %dma_wait3A_824 : memref<1x50x128xf32, #tpu.memory_space<hbm>> -> memref<50x128xf32, #tpu.memory_space<hbm>>
      %dma_wait3A_826 = arith.constant 0 : i32
      %dma_wait3A_827 = arith.constant 0 : i32
      %dma_wait3A_828 = tpu.memref_slice %arg4[%add3A_543, %dma_wait3A_826, %dma_wait3A_827] : memref<4096x50x128xf32, #tpu.memory_space<hbm>> -> memref<1x50x128xf32, #tpu.memory_space<hbm>>
      %dma_wait3A_829 = tpu.memref_squeeze %dma_wait3A_828 : memref<1x50x128xf32, #tpu.memory_space<hbm>> -> memref<50x128xf32, #tpu.memory_space<hbm>>
      %dma_wait3A_830 = arith.constant 0 : i32
      %dma_wait3A_831 = arith.constant 0 : i32
      %dma_wait3A_832 = tpu.memref_slice %arg6[%dma_wait3A_817, %dma_wait3A_830, %dma_wait3A_831] : memref<8x50x128xf32, #tpu.memory_space<vmem>> -> memref<1x50x128xf32, #tpu.memory_space<vmem>>
      %dma_wait3A_833 = tpu.memref_squeeze %dma_wait3A_832 : memref<1x50x128xf32, #tpu.memory_space<vmem>> -> memref<50x128xf32, #tpu.memory_space<vmem>>
      tpu.wait_dma2 semaphore(%arg16 : memref<!tpu.dma_semaphore, #tpu.memory_space<semaphore_mem>>) src(%dma_wait3A_833 : memref<50x128xf32, #tpu.memory_space<vmem>>) dst(%dma_wait3A_829 : memref<50x128xf32, #tpu.memory_space<hbm>>)
      %mul3A_834 = arith.constant 8 : i32
      %mul3A_835 = arith.muli %scan3A_486, %mul3A_834 : i32
      %add3A_836 = arith.constant 1 : i32
      %add3A_837 = arith.addi %mul3A_835, %add3A_836 : i32
      %add3A_838 = arith.constant 8 : i32
      %add3A_839 = arith.addi %add3A_837, %add3A_838 : i32
      %dma_start3A_840 = arith.constant 1 : i32
      %dma_start3A_841 = arith.constant 0 : i32
      %dma_start3A_842 = arith.constant 0 : i32
      %dma_start3A_843 = tpu.memref_slice %arg6[%dma_start3A_840, %dma_start3A_841, %dma_start3A_842] : memref<8x50x128xf32, #tpu.memory_space<vmem>> -> memref<1x50x128xf32, #tpu.memory_space<vmem>>
      %dma_start3A_844 = tpu.memref_squeeze %dma_start3A_843 : memref<1x50x128xf32, #tpu.memory_space<vmem>> -> memref<50x128xf32, #tpu.memory_space<vmem>>
      %dma_start3A_845 = arith.constant 0 : i32
      %dma_start3A_846 = tpu.memref_slice %arg5[%add3A_839, %dma_start3A_845] : memref<128x128xi32, #tpu.memory_space<vmem>> -> memref<1x50xi32, #tpu.memory_space<vmem>>
      %dma_start3A_847 = tpu.memref_squeeze %dma_start3A_846 : memref<1x50xi32, #tpu.memory_space<vmem>> -> memref<50xi32, #tpu.memory_space<vmem>>
      %dma_start3A_848 = arith.constant 0 : i32
      %dma_start3A_849 = arith.constant 0 : i32
      %dma_start3A_850 = tpu.memref_slice %arg2[%dma_start3A_848, %dma_start3A_849] : memref<100000x128xf32, #tpu.memory_space<hbm>> -> memref<100000x128xf32, #tpu.memory_space<hbm>>
      tpu.enqueue_indirect_dma source(%dma_start3A_850 : memref<100000x128xf32, #tpu.memory_space<hbm>>) target(%dma_start3A_844 : memref<50x128xf32, #tpu.memory_space<vmem>>) offsets(%dma_start3A_847 : memref<50xi32, #tpu.memory_space<vmem>>) semaphore(%arg8 : memref<!tpu.dma_semaphore, #tpu.memory_space<semaphore_mem>>)
      %dma_wait3A_851 = arith.constant 2 : i32
      %dma_wait3A_852 = arith.constant 0 : i32
      %dma_wait3A_853 = arith.constant 0 : i32
      %dma_wait3A_854 = tpu.memref_slice %arg6[%dma_wait3A_851, %dma_wait3A_852, %dma_wait3A_853] : memref<8x50x128xf32, #tpu.memory_space<vmem>> -> memref<1x50x128xf32, #tpu.memory_space<vmem>>
      %dma_wait3A_855 = tpu.memref_squeeze %dma_wait3A_854 : memref<1x50x128xf32, #tpu.memory_space<vmem>> -> memref<50x128xf32, #tpu.memory_space<vmem>>
      %dma_wait3A_856 = arith.constant 0 : i32
      %dma_wait3A_857 = arith.constant 0 : i32
      %dma_wait3A_858 = tpu.memref_slice %arg4[%add3A_580, %dma_wait3A_856, %dma_wait3A_857] : memref<4096x50x128xf32, #tpu.memory_space<hbm>> -> memref<1x50x128xf32, #tpu.memory_space<hbm>>
      %dma_wait3A_859 = tpu.memref_squeeze %dma_wait3A_858 : memref<1x50x128xf32, #tpu.memory_space<hbm>> -> memref<50x128xf32, #tpu.memory_space<hbm>>
      %dma_wait3A_860 = arith.constant 0 : i32
      %dma_wait3A_861 = arith.constant 0 : i32
      %dma_wait3A_862 = tpu.memref_slice %arg4[%add3A_580, %dma_wait3A_860, %dma_wait3A_861] : memref<4096x50x128xf32, #tpu.memory_space<hbm>> -> memref<1x50x128xf32, #tpu.memory_space<hbm>>
      %dma_wait3A_863 = tpu.memref_squeeze %dma_wait3A_862 : memref<1x50x128xf32, #tpu.memory_space<hbm>> -> memref<50x128xf32, #tpu.memory_space<hbm>>
      %dma_wait3A_864 = arith.constant 0 : i32
      %dma_wait3A_865 = arith.constant 0 : i32
      %dma_wait3A_866 = tpu.memref_slice %arg6[%dma_wait3A_851, %dma_wait3A_864, %dma_wait3A_865] : memref<8x50x128xf32, #tpu.memory_space<vmem>> -> memref<1x50x128xf32, #tpu.memory_space<vmem>>
      %dma_wait3A_867 = tpu.memref_squeeze %dma_wait3A_866 : memref<1x50x128xf32, #tpu.memory_space<vmem>> -> memref<50x128xf32, #tpu.memory_space<vmem>>
      tpu.wait_dma2 semaphore(%arg17 : memref<!tpu.dma_semaphore, #tpu.memory_space<semaphore_mem>>) src(%dma_wait3A_867 : memref<50x128xf32, #tpu.memory_space<vmem>>) dst(%dma_wait3A_863 : memref<50x128xf32, #tpu.memory_space<hbm>>)
      %mul3A_868 = arith.constant 8 : i32
      %mul3A_869 = arith.muli %scan3A_486, %mul3A_868 : i32
      %add3A_870 = arith.constant 2 : i32
      %add3A_871 = arith.addi %mul3A_869, %add3A_870 : i32
      %add3A_872 = arith.constant 8 : i32
      %add3A_873 = arith.addi %add3A_871, %add3A_872 : i32
      %dma_start3A_874 = arith.constant 2 : i32
      %dma_start3A_875 = arith.constant 0 : i32
      %dma_start3A_876 = arith.constant 0 : i32
      %dma_start3A_877 = tpu.memref_slice %arg6[%dma_start3A_874, %dma_start3A_875, %dma_start3A_876] : memref<8x50x128xf32, #tpu.memory_space<vmem>> -> memref<1x50x128xf32, #tpu.memory_space<vmem>>
      %dma_start3A_878 = tpu.memref_squeeze %dma_start3A_877 : memref<1x50x128xf32, #tpu.memory_space<vmem>> -> memref<50x128xf32, #tpu.memory_space<vmem>>
      %dma_start3A_879 = arith.constant 0 : i32
      %dma_start3A_880 = tpu.memref_slice %arg5[%add3A_873, %dma_start3A_879] : memref<128x128xi32, #tpu.memory_space<vmem>> -> memref<1x50xi32, #tpu.memory_space<vmem>>
      %dma_start3A_881 = tpu.memref_squeeze %dma_start3A_880 : memref<1x50xi32, #tpu.memory_space<vmem>> -> memref<50xi32, #tpu.memory_space<vmem>>
      %dma_start3A_882 = arith.constant 0 : i32
      %dma_start3A_883 = arith.constant 0 : i32
      %dma_start3A_884 = tpu.memref_slice %arg2[%dma_start3A_882, %dma_start3A_883] : memref<100000x128xf32, #tpu.memory_space<hbm>> -> memref<100000x128xf32, #tpu.memory_space<hbm>>
      tpu.enqueue_indirect_dma source(%dma_start3A_884 : memref<100000x128xf32, #tpu.memory_space<hbm>>) target(%dma_start3A_878 : memref<50x128xf32, #tpu.memory_space<vmem>>) offsets(%dma_start3A_881 : memref<50xi32, #tpu.memory_space<vmem>>) semaphore(%arg9 : memref<!tpu.dma_semaphore, #tpu.memory_space<semaphore_mem>>)
      %dma_wait3A_885 = arith.constant 3 : i32
      %dma_wait3A_886 = arith.constant 0 : i32
      %dma_wait3A_887 = arith.constant 0 : i32
      %dma_wait3A_888 = tpu.memref_slice %arg6[%dma_wait3A_885, %dma_wait3A_886, %dma_wait3A_887] : memref<8x50x128xf32, #tpu.memory_space<vmem>> -> memref<1x50x128xf32, #tpu.memory_space<vmem>>
      %dma_wait3A_889 = tpu.memref_squeeze %dma_wait3A_888 : memref<1x50x128xf32, #tpu.memory_space<vmem>> -> memref<50x128xf32, #tpu.memory_space<vmem>>
      %dma_wait3A_890 = arith.constant 0 : i32
      %dma_wait3A_891 = arith.constant 0 : i32
      %dma_wait3A_892 = tpu.memref_slice %arg4[%add3A_617, %dma_wait3A_890, %dma_wait3A_891] : memref<4096x50x128xf32, #tpu.memory_space<hbm>> -> memref<1x50x128xf32, #tpu.memory_space<hbm>>
      %dma_wait3A_893 = tpu.memref_squeeze %dma_wait3A_892 : memref<1x50x128xf32, #tpu.memory_space<hbm>> -> memref<50x128xf32, #tpu.memory_space<hbm>>
      %dma_wait3A_894 = arith.constant 0 : i32
      %dma_wait3A_895 = arith.constant 0 : i32
      %dma_wait3A_896 = tpu.memref_slice %arg4[%add3A_617, %dma_wait3A_894, %dma_wait3A_895] : memref<4096x50x128xf32, #tpu.memory_space<hbm>> -> memref<1x50x128xf32, #tpu.memory_space<hbm>>
      %dma_wait3A_897 = tpu.memref_squeeze %dma_wait3A_896 : memref<1x50x128xf32, #tpu.memory_space<hbm>> -> memref<50x128xf32, #tpu.memory_space<hbm>>
      %dma_wait3A_898 = arith.constant 0 : i32
      %dma_wait3A_899 = arith.constant 0 : i32
      %dma_wait3A_900 = tpu.memref_slice %arg6[%dma_wait3A_885, %dma_wait3A_898, %dma_wait3A_899] : memref<8x50x128xf32, #tpu.memory_space<vmem>> -> memref<1x50x128xf32, #tpu.memory_space<vmem>>
      %dma_wait3A_901 = tpu.memref_squeeze %dma_wait3A_900 : memref<1x50x128xf32, #tpu.memory_space<vmem>> -> memref<50x128xf32, #tpu.memory_space<vmem>>
      tpu.wait_dma2 semaphore(%arg18 : memref<!tpu.dma_semaphore, #tpu.memory_space<semaphore_mem>>) src(%dma_wait3A_901 : memref<50x128xf32, #tpu.memory_space<vmem>>) dst(%dma_wait3A_897 : memref<50x128xf32, #tpu.memory_space<hbm>>)
      %mul3A_902 = arith.constant 8 : i32
      %mul3A_903 = arith.muli %scan3A_486, %mul3A_902 : i32
      %add3A_904 = arith.constant 3 : i32
      %add3A_905 = arith.addi %mul3A_903, %add3A_904 : i32
      %add3A_906 = arith.constant 8 : i32
      %add3A_907 = arith.addi %add3A_905, %add3A_906 : i32
      %dma_start3A_908 = arith.constant 3 : i32
      %dma_start3A_909 = arith.constant 0 : i32
      %dma_start3A_910 = arith.constant 0 : i32
      %dma_start3A_911 = tpu.memref_slice %arg6[%dma_start3A_908, %dma_start3A_909, %dma_start3A_910] : memref<8x50x128xf32, #tpu.memory_space<vmem>> -> memref<1x50x128xf32, #tpu.memory_space<vmem>>
      %dma_start3A_912 = tpu.memref_squeeze %dma_start3A_911 : memref<1x50x128xf32, #tpu.memory_space<vmem>> -> memref<50x128xf32, #tpu.memory_space<vmem>>
      %dma_start3A_913 = arith.constant 0 : i32
      %dma_start3A_914 = tpu.memref_slice %arg5[%add3A_907, %dma_start3A_913] : memref<128x128xi32, #tpu.memory_space<vmem>> -> memref<1x50xi32, #tpu.memory_space<vmem>>
      %dma_start3A_915 = tpu.memref_squeeze %dma_start3A_914 : memref<1x50xi32, #tpu.memory_space<vmem>> -> memref<50xi32, #tpu.memory_space<vmem>>
      %dma_start3A_916 = arith.constant 0 : i32
      %dma_start3A_917 = arith.constant 0 : i32
      %dma_start3A_918 = tpu.memref_slice %arg2[%dma_start3A_916, %dma_start3A_917] : memref<100000x128xf32, #tpu.memory_space<hbm>> -> memref<100000x128xf32, #tpu.memory_space<hbm>>
      tpu.enqueue_indirect_dma source(%dma_start3A_918 : memref<100000x128xf32, #tpu.memory_space<hbm>>) target(%dma_start3A_912 : memref<50x128xf32, #tpu.memory_space<vmem>>) offsets(%dma_start3A_915 : memref<50xi32, #tpu.memory_space<vmem>>) semaphore(%arg10 : memref<!tpu.dma_semaphore, #tpu.memory_space<semaphore_mem>>)
      %dma_wait3A_919 = arith.constant 4 : i32
      %dma_wait3A_920 = arith.constant 0 : i32
      %dma_wait3A_921 = arith.constant 0 : i32
      %dma_wait3A_922 = tpu.memref_slice %arg6[%dma_wait3A_919, %dma_wait3A_920, %dma_wait3A_921] : memref<8x50x128xf32, #tpu.memory_space<vmem>> -> memref<1x50x128xf32, #tpu.memory_space<vmem>>
      %dma_wait3A_923 = tpu.memref_squeeze %dma_wait3A_922 : memref<1x50x128xf32, #tpu.memory_space<vmem>> -> memref<50x128xf32, #tpu.memory_space<vmem>>
      %dma_wait3A_924 = arith.constant 0 : i32
      %dma_wait3A_925 = arith.constant 0 : i32
      %dma_wait3A_926 = tpu.memref_slice %arg4[%add3A_654, %dma_wait3A_924, %dma_wait3A_925] : memref<4096x50x128xf32, #tpu.memory_space<hbm>> -> memref<1x50x128xf32, #tpu.memory_space<hbm>>
      %dma_wait3A_927 = tpu.memref_squeeze %dma_wait3A_926 : memref<1x50x128xf32, #tpu.memory_space<hbm>> -> memref<50x128xf32, #tpu.memory_space<hbm>>
      %dma_wait3A_928 = arith.constant 0 : i32
      %dma_wait3A_929 = arith.constant 0 : i32
      %dma_wait3A_930 = tpu.memref_slice %arg4[%add3A_654, %dma_wait3A_928, %dma_wait3A_929] : memref<4096x50x128xf32, #tpu.memory_space<hbm>> -> memref<1x50x128xf32, #tpu.memory_space<hbm>>
      %dma_wait3A_931 = tpu.memref_squeeze %dma_wait3A_930 : memref<1x50x128xf32, #tpu.memory_space<hbm>> -> memref<50x128xf32, #tpu.memory_space<hbm>>
      %dma_wait3A_932 = arith.constant 0 : i32
      %dma_wait3A_933 = arith.constant 0 : i32
      %dma_wait3A_934 = tpu.memref_slice %arg6[%dma_wait3A_919, %dma_wait3A_932, %dma_wait3A_933] : memref<8x50x128xf32, #tpu.memory_space<vmem>> -> memref<1x50x128xf32, #tpu.memory_space<vmem>>
      %dma_wait3A_935 = tpu.memref_squeeze %dma_wait3A_934 : memref<1x50x128xf32, #tpu.memory_space<vmem>> -> memref<50x128xf32, #tpu.memory_space<vmem>>
      tpu.wait_dma2 semaphore(%arg19 : memref<!tpu.dma_semaphore, #tpu.memory_space<semaphore_mem>>) src(%dma_wait3A_935 : memref<50x128xf32, #tpu.memory_space<vmem>>) dst(%dma_wait3A_931 : memref<50x128xf32, #tpu.memory_space<hbm>>)
      %mul3A_936 = arith.constant 8 : i32
      %mul3A_937 = arith.muli %scan3A_486, %mul3A_936 : i32
      %add3A_938 = arith.constant 4 : i32
      %add3A_939 = arith.addi %mul3A_937, %add3A_938 : i32
      %add3A_940 = arith.constant 8 : i32
      %add3A_941 = arith.addi %add3A_939, %add3A_940 : i32
      %dma_start3A_942 = arith.constant 4 : i32
      %dma_start3A_943 = arith.constant 0 : i32
      %dma_start3A_944 = arith.constant 0 : i32
      %dma_start3A_945 = tpu.memref_slice %arg6[%dma_start3A_942, %dma_start3A_943, %dma_start3A_944] : memref<8x50x128xf32, #tpu.memory_space<vmem>> -> memref<1x50x128xf32, #tpu.memory_space<vmem>>
      %dma_start3A_946 = tpu.memref_squeeze %dma_start3A_945 : memref<1x50x128xf32, #tpu.memory_space<vmem>> -> memref<50x128xf32, #tpu.memory_space<vmem>>
      %dma_start3A_947 = arith.constant 0 : i32
      %dma_start3A_948 = tpu.memref_slice %arg5[%add3A_941, %dma_start3A_947] : memref<128x128xi32, #tpu.memory_space<vmem>> -> memref<1x50xi32, #tpu.memory_space<vmem>>
      %dma_start3A_949 = tpu.memref_squeeze %dma_start3A_948 : memref<1x50xi32, #tpu.memory_space<vmem>> -> memref<50xi32, #tpu.memory_space<vmem>>
      %dma_start3A_950 = arith.constant 0 : i32
      %dma_start3A_951 = arith.constant 0 : i32
      %dma_start3A_952 = tpu.memref_slice %arg2[%dma_start3A_950, %dma_start3A_951] : memref<100000x128xf32, #tpu.memory_space<hbm>> -> memref<100000x128xf32, #tpu.memory_space<hbm>>
      tpu.enqueue_indirect_dma source(%dma_start3A_952 : memref<100000x128xf32, #tpu.memory_space<hbm>>) target(%dma_start3A_946 : memref<50x128xf32, #tpu.memory_space<vmem>>) offsets(%dma_start3A_949 : memref<50xi32, #tpu.memory_space<vmem>>) semaphore(%arg11 : memref<!tpu.dma_semaphore, #tpu.memory_space<semaphore_mem>>)
      %dma_wait3A_953 = arith.constant 5 : i32
      %dma_wait3A_954 = arith.constant 0 : i32
      %dma_wait3A_955 = arith.constant 0 : i32
      %dma_wait3A_956 = tpu.memref_slice %arg6[%dma_wait3A_953, %dma_wait3A_954, %dma_wait3A_955] : memref<8x50x128xf32, #tpu.memory_space<vmem>> -> memref<1x50x128xf32, #tpu.memory_space<vmem>>
      %dma_wait3A_957 = tpu.memref_squeeze %dma_wait3A_956 : memref<1x50x128xf32, #tpu.memory_space<vmem>> -> memref<50x128xf32, #tpu.memory_space<vmem>>
      %dma_wait3A_958 = arith.constant 0 : i32
      %dma_wait3A_959 = arith.constant 0 : i32
      %dma_wait3A_960 = tpu.memref_slice %arg4[%add3A_691, %dma_wait3A_958, %dma_wait3A_959] : memref<4096x50x128xf32, #tpu.memory_space<hbm>> -> memref<1x50x128xf32, #tpu.memory_space<hbm>>
      %dma_wait3A_961 = tpu.memref_squeeze %dma_wait3A_960 : memref<1x50x128xf32, #tpu.memory_space<hbm>> -> memref<50x128xf32, #tpu.memory_space<hbm>>
      %dma_wait3A_962 = arith.constant 0 : i32
      %dma_wait3A_963 = arith.constant 0 : i32
      %dma_wait3A_964 = tpu.memref_slice %arg4[%add3A_691, %dma_wait3A_962, %dma_wait3A_963] : memref<4096x50x128xf32, #tpu.memory_space<hbm>> -> memref<1x50x128xf32, #tpu.memory_space<hbm>>
      %dma_wait3A_965 = tpu.memref_squeeze %dma_wait3A_964 : memref<1x50x128xf32, #tpu.memory_space<hbm>> -> memref<50x128xf32, #tpu.memory_space<hbm>>
      %dma_wait3A_966 = arith.constant 0 : i32
      %dma_wait3A_967 = arith.constant 0 : i32
      %dma_wait3A_968 = tpu.memref_slice %arg6[%dma_wait3A_953, %dma_wait3A_966, %dma_wait3A_967] : memref<8x50x128xf32, #tpu.memory_space<vmem>> -> memref<1x50x128xf32, #tpu.memory_space<vmem>>
      %dma_wait3A_969 = tpu.memref_squeeze %dma_wait3A_968 : memref<1x50x128xf32, #tpu.memory_space<vmem>> -> memref<50x128xf32, #tpu.memory_space<vmem>>
      tpu.wait_dma2 semaphore(%arg20 : memref<!tpu.dma_semaphore, #tpu.memory_space<semaphore_mem>>) src(%dma_wait3A_969 : memref<50x128xf32, #tpu.memory_space<vmem>>) dst(%dma_wait3A_965 : memref<50x128xf32, #tpu.memory_space<hbm>>)
      %mul3A_970 = arith.constant 8 : i32
      %mul3A_971 = arith.muli %scan3A_486, %mul3A_970 : i32
      %add3A_972 = arith.constant 5 : i32
      %add3A_973 = arith.addi %mul3A_971, %add3A_972 : i32
      %add3A_974 = arith.constant 8 : i32
      %add3A_975 = arith.addi %add3A_973, %add3A_974 : i32
      %dma_start3A_976 = arith.constant 5 : i32
      %dma_start3A_977 = arith.constant 0 : i32
      %dma_start3A_978 = arith.constant 0 : i32
      %dma_start3A_979 = tpu.memref_slice %arg6[%dma_start3A_976, %dma_start3A_977, %dma_start3A_978] : memref<8x50x128xf32, #tpu.memory_space<vmem>> -> memref<1x50x128xf32, #tpu.memory_space<vmem>>
      %dma_start3A_980 = tpu.memref_squeeze %dma_start3A_979 : memref<1x50x128xf32, #tpu.memory_space<vmem>> -> memref<50x128xf32, #tpu.memory_space<vmem>>
      %dma_start3A_981 = arith.constant 0 : i32
      %dma_start3A_982 = tpu.memref_slice %arg5[%add3A_975, %dma_start3A_981] : memref<128x128xi32, #tpu.memory_space<vmem>> -> memref<1x50xi32, #tpu.memory_space<vmem>>
      %dma_start3A_983 = tpu.memref_squeeze %dma_start3A_982 : memref<1x50xi32, #tpu.memory_space<vmem>> -> memref<50xi32, #tpu.memory_space<vmem>>
      %dma_start3A_984 = arith.constant 0 : i32
      %dma_start3A_985 = arith.constant 0 : i32
      %dma_start3A_986 = tpu.memref_slice %arg2[%dma_start3A_984, %dma_start3A_985] : memref<100000x128xf32, #tpu.memory_space<hbm>> -> memref<100000x128xf32, #tpu.memory_space<hbm>>
      tpu.enqueue_indirect_dma source(%dma_start3A_986 : memref<100000x128xf32, #tpu.memory_space<hbm>>) target(%dma_start3A_980 : memref<50x128xf32, #tpu.memory_space<vmem>>) offsets(%dma_start3A_983 : memref<50xi32, #tpu.memory_space<vmem>>) semaphore(%arg12 : memref<!tpu.dma_semaphore, #tpu.memory_space<semaphore_mem>>)
      %dma_wait3A_987 = arith.constant 6 : i32
      %dma_wait3A_988 = arith.constant 0 : i32
      %dma_wait3A_989 = arith.constant 0 : i32
      %dma_wait3A_990 = tpu.memref_slice %arg6[%dma_wait3A_987, %dma_wait3A_988, %dma_wait3A_989] : memref<8x50x128xf32, #tpu.memory_space<vmem>> -> memref<1x50x128xf32, #tpu.memory_space<vmem>>
      %dma_wait3A_991 = tpu.memref_squeeze %dma_wait3A_990 : memref<1x50x128xf32, #tpu.memory_space<vmem>> -> memref<50x128xf32, #tpu.memory_space<vmem>>
      %dma_wait3A_992 = arith.constant 0 : i32
      %dma_wait3A_993 = arith.constant 0 : i32
      %dma_wait3A_994 = tpu.memref_slice %arg4[%add3A_728, %dma_wait3A_992, %dma_wait3A_993] : memref<4096x50x128xf32, #tpu.memory_space<hbm>> -> memref<1x50x128xf32, #tpu.memory_space<hbm>>
      %dma_wait3A_995 = tpu.memref_squeeze %dma_wait3A_994 : memref<1x50x128xf32, #tpu.memory_space<hbm>> -> memref<50x128xf32, #tpu.memory_space<hbm>>
      %dma_wait3A_996 = arith.constant 0 : i32
      %dma_wait3A_997 = arith.constant 0 : i32
      %dma_wait3A_998 = tpu.memref_slice %arg4[%add3A_728, %dma_wait3A_996, %dma_wait3A_997] : memref<4096x50x128xf32, #tpu.memory_space<hbm>> -> memref<1x50x128xf32, #tpu.memory_space<hbm>>
      %dma_wait3A_999 = tpu.memref_squeeze %dma_wait3A_998 : memref<1x50x128xf32, #tpu.memory_space<hbm>> -> memref<50x128xf32, #tpu.memory_space<hbm>>
      %dma_wait3A_1000 = arith.constant 0 : i32
      %dma_wait3A_1001 = arith.constant 0 : i32
      %dma_wait3A_1002 = tpu.memref_slice %arg6[%dma_wait3A_987, %dma_wait3A_1000, %dma_wait3A_1001] : memref<8x50x128xf32, #tpu.memory_space<vmem>> -> memref<1x50x128xf32, #tpu.memory_space<vmem>>
      %dma_wait3A_1003 = tpu.memref_squeeze %dma_wait3A_1002 : memref<1x50x128xf32, #tpu.memory_space<vmem>> -> memref<50x128xf32, #tpu.memory_space<vmem>>
      tpu.wait_dma2 semaphore(%arg21 : memref<!tpu.dma_semaphore, #tpu.memory_space<semaphore_mem>>) src(%dma_wait3A_1003 : memref<50x128xf32, #tpu.memory_space<vmem>>) dst(%dma_wait3A_999 : memref<50x128xf32, #tpu.memory_space<hbm>>)
      %mul3A_1004 = arith.constant 8 : i32
      %mul3A_1005 = arith.muli %scan3A_486, %mul3A_1004 : i32
      %add3A_1006 = arith.constant 6 : i32
      %add3A_1007 = arith.addi %mul3A_1005, %add3A_1006 : i32
      %add3A_1008 = arith.constant 8 : i32
      %add3A_1009 = arith.addi %add3A_1007, %add3A_1008 : i32
      %dma_start3A_1010 = arith.constant 6 : i32
      %dma_start3A_1011 = arith.constant 0 : i32
      %dma_start3A_1012 = arith.constant 0 : i32
      %dma_start3A_1013 = tpu.memref_slice %arg6[%dma_start3A_1010, %dma_start3A_1011, %dma_start3A_1012] : memref<8x50x128xf32, #tpu.memory_space<vmem>> -> memref<1x50x128xf32, #tpu.memory_space<vmem>>
      %dma_start3A_1014 = tpu.memref_squeeze %dma_start3A_1013 : memref<1x50x128xf32, #tpu.memory_space<vmem>> -> memref<50x128xf32, #tpu.memory_space<vmem>>
      %dma_start3A_1015 = arith.constant 0 : i32
      %dma_start3A_1016 = tpu.memref_slice %arg5[%add3A_1009, %dma_start3A_1015] : memref<128x128xi32, #tpu.memory_space<vmem>> -> memref<1x50xi32, #tpu.memory_space<vmem>>
      %dma_start3A_1017 = tpu.memref_squeeze %dma_start3A_1016 : memref<1x50xi32, #tpu.memory_space<vmem>> -> memref<50xi32, #tpu.memory_space<vmem>>
      %dma_start3A_1018 = arith.constant 0 : i32
      %dma_start3A_1019 = arith.constant 0 : i32
      %dma_start3A_1020 = tpu.memref_slice %arg2[%dma_start3A_1018, %dma_start3A_1019] : memref<100000x128xf32, #tpu.memory_space<hbm>> -> memref<100000x128xf32, #tpu.memory_space<hbm>>
      tpu.enqueue_indirect_dma source(%dma_start3A_1020 : memref<100000x128xf32, #tpu.memory_space<hbm>>) target(%dma_start3A_1014 : memref<50x128xf32, #tpu.memory_space<vmem>>) offsets(%dma_start3A_1017 : memref<50xi32, #tpu.memory_space<vmem>>) semaphore(%arg13 : memref<!tpu.dma_semaphore, #tpu.memory_space<semaphore_mem>>)
      %dma_wait3A_1021 = arith.constant 7 : i32
      %dma_wait3A_1022 = arith.constant 0 : i32
      %dma_wait3A_1023 = arith.constant 0 : i32
      %dma_wait3A_1024 = tpu.memref_slice %arg6[%dma_wait3A_1021, %dma_wait3A_1022, %dma_wait3A_1023] : memref<8x50x128xf32, #tpu.memory_space<vmem>> -> memref<1x50x128xf32, #tpu.memory_space<vmem>>
      %dma_wait3A_1025 = tpu.memref_squeeze %dma_wait3A_1024 : memref<1x50x128xf32, #tpu.memory_space<vmem>> -> memref<50x128xf32, #tpu.memory_space<vmem>>
      %dma_wait3A_1026 = arith.constant 0 : i32
      %dma_wait3A_1027 = arith.constant 0 : i32
      %dma_wait3A_1028 = tpu.memref_slice %arg4[%add3A_765, %dma_wait3A_1026, %dma_wait3A_1027] : memref<4096x50x128xf32, #tpu.memory_space<hbm>> -> memref<1x50x128xf32, #tpu.memory_space<hbm>>
      %dma_wait3A_1029 = tpu.memref_squeeze %dma_wait3A_1028 : memref<1x50x128xf32, #tpu.memory_space<hbm>> -> memref<50x128xf32, #tpu.memory_space<hbm>>
      %dma_wait3A_1030 = arith.constant 0 : i32
      %dma_wait3A_1031 = arith.constant 0 : i32
      %dma_wait3A_1032 = tpu.memref_slice %arg4[%add3A_765, %dma_wait3A_1030, %dma_wait3A_1031] : memref<4096x50x128xf32, #tpu.memory_space<hbm>> -> memref<1x50x128xf32, #tpu.memory_space<hbm>>
      %dma_wait3A_1033 = tpu.memref_squeeze %dma_wait3A_1032 : memref<1x50x128xf32, #tpu.memory_space<hbm>> -> memref<50x128xf32, #tpu.memory_space<hbm>>
      %dma_wait3A_1034 = arith.constant 0 : i32
      %dma_wait3A_1035 = arith.constant 0 : i32
      %dma_wait3A_1036 = tpu.memref_slice %arg6[%dma_wait3A_1021, %dma_wait3A_1034, %dma_wait3A_1035] : memref<8x50x128xf32, #tpu.memory_space<vmem>> -> memref<1x50x128xf32, #tpu.memory_space<vmem>>
      %dma_wait3A_1037 = tpu.memref_squeeze %dma_wait3A_1036 : memref<1x50x128xf32, #tpu.memory_space<vmem>> -> memref<50x128xf32, #tpu.memory_space<vmem>>
      tpu.wait_dma2 semaphore(%arg22 : memref<!tpu.dma_semaphore, #tpu.memory_space<semaphore_mem>>) src(%dma_wait3A_1037 : memref<50x128xf32, #tpu.memory_space<vmem>>) dst(%dma_wait3A_1033 : memref<50x128xf32, #tpu.memory_space<hbm>>)
      %mul3A_1038 = arith.constant 8 : i32
      %mul3A_1039 = arith.muli %scan3A_486, %mul3A_1038 : i32
      %add3A_1040 = arith.constant 7 : i32
      %add3A_1041 = arith.addi %mul3A_1039, %add3A_1040 : i32
      %add3A_1042 = arith.constant 8 : i32
      %add3A_1043 = arith.addi %add3A_1041, %add3A_1042 : i32
      %dma_start3A_1044 = arith.constant 7 : i32
      %dma_start3A_1045 = arith.constant 0 : i32
      %dma_start3A_1046 = arith.constant 0 : i32
      %dma_start3A_1047 = tpu.memref_slice %arg6[%dma_start3A_1044, %dma_start3A_1045, %dma_start3A_1046] : memref<8x50x128xf32, #tpu.memory_space<vmem>> -> memref<1x50x128xf32, #tpu.memory_space<vmem>>
      %dma_start3A_1048 = tpu.memref_squeeze %dma_start3A_1047 : memref<1x50x128xf32, #tpu.memory_space<vmem>> -> memref<50x128xf32, #tpu.memory_space<vmem>>
      %dma_start3A_1049 = arith.constant 0 : i32
      %dma_start3A_1050 = tpu.memref_slice %arg5[%add3A_1043, %dma_start3A_1049] : memref<128x128xi32, #tpu.memory_space<vmem>> -> memref<1x50xi32, #tpu.memory_space<vmem>>
      %dma_start3A_1051 = tpu.memref_squeeze %dma_start3A_1050 : memref<1x50xi32, #tpu.memory_space<vmem>> -> memref<50xi32, #tpu.memory_space<vmem>>
      %dma_start3A_1052 = arith.constant 0 : i32
      %dma_start3A_1053 = arith.constant 0 : i32
      %dma_start3A_1054 = tpu.memref_slice %arg2[%dma_start3A_1052, %dma_start3A_1053] : memref<100000x128xf32, #tpu.memory_space<hbm>> -> memref<100000x128xf32, #tpu.memory_space<hbm>>
      tpu.enqueue_indirect_dma source(%dma_start3A_1054 : memref<100000x128xf32, #tpu.memory_space<hbm>>) target(%dma_start3A_1048 : memref<50x128xf32, #tpu.memory_space<vmem>>) offsets(%dma_start3A_1051 : memref<50xi32, #tpu.memory_space<vmem>>) semaphore(%arg14 : memref<!tpu.dma_semaphore, #tpu.memory_space<semaphore_mem>>)
    }
    %scan3A_102 = arith.constant 15 : i32
    %dma_wait3A = arith.constant 120 : i32
    %dma_wait3A_103 = arith.constant 0 : i32
    %dma_wait3A_104 = arith.constant 0 : i32
    %dma_wait3A_105 = arith.constant 0 : i32
    %dma_wait3A_106 = tpu.memref_slice %arg6[%dma_wait3A_103, %dma_wait3A_104, %dma_wait3A_105] : memref<8x50x128xf32, #tpu.memory_space<vmem>> -> memref<1x50x128xf32, #tpu.memory_space<vmem>>
    %dma_wait3A_107 = tpu.memref_squeeze %dma_wait3A_106 : memref<1x50x128xf32, #tpu.memory_space<vmem>> -> memref<50x128xf32, #tpu.memory_space<vmem>>
    %dma_wait3A_108 = arith.constant 0 : i32
    %dma_wait3A_109 = tpu.memref_slice %arg5[%dma_wait3A, %dma_wait3A_108] : memref<128x128xi32, #tpu.memory_space<vmem>> -> memref<1x50xi32, #tpu.memory_space<vmem>>
    %dma_wait3A_110 = tpu.memref_squeeze %dma_wait3A_109 : memref<1x50xi32, #tpu.memory_space<vmem>> -> memref<50xi32, #tpu.memory_space<vmem>>
    %dma_wait3A_111 = arith.constant 0 : i32
    %dma_wait3A_112 = arith.constant 0 : i32
    %dma_wait3A_113 = tpu.memref_slice %arg2[%dma_wait3A_111, %dma_wait3A_112] : memref<100000x128xf32, #tpu.memory_space<hbm>> -> memref<100000x128xf32, #tpu.memory_space<hbm>>
    tpu.wait_indirect_dma semaphore(%arg7 : memref<!tpu.dma_semaphore, #tpu.memory_space<semaphore_mem>>) src(%dma_wait3A_113 : memref<100000x128xf32, #tpu.memory_space<hbm>>) dst(%dma_wait3A_107 : memref<50x128xf32, #tpu.memory_space<vmem>>)
    %add3A_114 = arith.constant 120 : i32
    %add3A_115 = arith.addi %mul3A_2, %add3A_114 : i32
    %dma_start3A_116 = arith.constant 0 : i32
    %dma_start3A_117 = arith.constant 0 : i32
    %dma_start3A_118 = arith.constant 0 : i32
    %dma_start3A_119 = tpu.memref_slice %arg6[%dma_start3A_116, %dma_start3A_117, %dma_start3A_118] : memref<8x50x128xf32, #tpu.memory_space<vmem>> -> memref<1x50x128xf32, #tpu.memory_space<vmem>>
    %dma_start3A_120 = tpu.memref_squeeze %dma_start3A_119 : memref<1x50x128xf32, #tpu.memory_space<vmem>> -> memref<50x128xf32, #tpu.memory_space<vmem>>
    %dma_start3A_121 = arith.constant 0 : i32
    %dma_start3A_122 = arith.constant 0 : i32
    %dma_start3A_123 = tpu.memref_slice %arg4[%add3A_115, %dma_start3A_121, %dma_start3A_122] : memref<4096x50x128xf32, #tpu.memory_space<hbm>> -> memref<1x50x128xf32, #tpu.memory_space<hbm>>
    %dma_start3A_124 = tpu.memref_squeeze %dma_start3A_123 : memref<1x50x128xf32, #tpu.memory_space<hbm>> -> memref<50x128xf32, #tpu.memory_space<hbm>>
    %dma_start3A_125 = arith.constant 0 : i32
    %dma_start3A_126 = arith.constant 0 : i32
    %dma_start3A_127 = tpu.memref_slice %arg4[%add3A_115, %dma_start3A_125, %dma_start3A_126] : memref<4096x50x128xf32, #tpu.memory_space<hbm>> -> memref<1x50x128xf32, #tpu.memory_space<hbm>>
    %dma_start3A_128 = tpu.memref_squeeze %dma_start3A_127 : memref<1x50x128xf32, #tpu.memory_space<hbm>> -> memref<50x128xf32, #tpu.memory_space<hbm>>
    %dma_start3A_129 = arith.constant 0 : i32
    %dma_start3A_130 = arith.constant 0 : i32
    %dma_start3A_131 = tpu.memref_slice %arg6[%dma_start3A_116, %dma_start3A_129, %dma_start3A_130] : memref<8x50x128xf32, #tpu.memory_space<vmem>> -> memref<1x50x128xf32, #tpu.memory_space<vmem>>
    %dma_start3A_132 = tpu.memref_squeeze %dma_start3A_131 : memref<1x50x128xf32, #tpu.memory_space<vmem>> -> memref<50x128xf32, #tpu.memory_space<vmem>>
    tpu.enqueue_dma source(%dma_start3A_132 : memref<50x128xf32, #tpu.memory_space<vmem>>) target(%dma_start3A_128 : memref<50x128xf32, #tpu.memory_space<hbm>>) target_semaphore(%arg15 : memref<!tpu.dma_semaphore, #tpu.memory_space<semaphore_mem>>)
    %dma_wait3A_133 = arith.constant 121 : i32
    %dma_wait3A_134 = arith.constant 1 : i32
    %dma_wait3A_135 = arith.constant 0 : i32
    %dma_wait3A_136 = arith.constant 0 : i32
    %dma_wait3A_137 = tpu.memref_slice %arg6[%dma_wait3A_134, %dma_wait3A_135, %dma_wait3A_136] : memref<8x50x128xf32, #tpu.memory_space<vmem>> -> memref<1x50x128xf32, #tpu.memory_space<vmem>>
    %dma_wait3A_138 = tpu.memref_squeeze %dma_wait3A_137 : memref<1x50x128xf32, #tpu.memory_space<vmem>> -> memref<50x128xf32, #tpu.memory_space<vmem>>
    %dma_wait3A_139 = arith.constant 0 : i32
    %dma_wait3A_140 = tpu.memref_slice %arg5[%dma_wait3A_133, %dma_wait3A_139] : memref<128x128xi32, #tpu.memory_space<vmem>> -> memref<1x50xi32, #tpu.memory_space<vmem>>
    %dma_wait3A_141 = tpu.memref_squeeze %dma_wait3A_140 : memref<1x50xi32, #tpu.memory_space<vmem>> -> memref<50xi32, #tpu.memory_space<vmem>>
    %dma_wait3A_142 = arith.constant 0 : i32
    %dma_wait3A_143 = arith.constant 0 : i32
    %dma_wait3A_144 = tpu.memref_slice %arg2[%dma_wait3A_142, %dma_wait3A_143] : memref<100000x128xf32, #tpu.memory_space<hbm>> -> memref<100000x128xf32, #tpu.memory_space<hbm>>
    tpu.wait_indirect_dma semaphore(%arg8 : memref<!tpu.dma_semaphore, #tpu.memory_space<semaphore_mem>>) src(%dma_wait3A_144 : memref<100000x128xf32, #tpu.memory_space<hbm>>) dst(%dma_wait3A_138 : memref<50x128xf32, #tpu.memory_space<vmem>>)
    %add3A_145 = arith.constant 121 : i32
    %add3A_146 = arith.addi %mul3A_2, %add3A_145 : i32
    %dma_start3A_147 = arith.constant 1 : i32
    %dma_start3A_148 = arith.constant 0 : i32
    %dma_start3A_149 = arith.constant 0 : i32
    %dma_start3A_150 = tpu.memref_slice %arg6[%dma_start3A_147, %dma_start3A_148, %dma_start3A_149] : memref<8x50x128xf32, #tpu.memory_space<vmem>> -> memref<1x50x128xf32, #tpu.memory_space<vmem>>
    %dma_start3A_151 = tpu.memref_squeeze %dma_start3A_150 : memref<1x50x128xf32, #tpu.memory_space<vmem>> -> memref<50x128xf32, #tpu.memory_space<vmem>>
    %dma_start3A_152 = arith.constant 0 : i32
    %dma_start3A_153 = arith.constant 0 : i32
    %dma_start3A_154 = tpu.memref_slice %arg4[%add3A_146, %dma_start3A_152, %dma_start3A_153] : memref<4096x50x128xf32, #tpu.memory_space<hbm>> -> memref<1x50x128xf32, #tpu.memory_space<hbm>>
    %dma_start3A_155 = tpu.memref_squeeze %dma_start3A_154 : memref<1x50x128xf32, #tpu.memory_space<hbm>> -> memref<50x128xf32, #tpu.memory_space<hbm>>
    %dma_start3A_156 = arith.constant 0 : i32
    %dma_start3A_157 = arith.constant 0 : i32
    %dma_start3A_158 = tpu.memref_slice %arg4[%add3A_146, %dma_start3A_156, %dma_start3A_157] : memref<4096x50x128xf32, #tpu.memory_space<hbm>> -> memref<1x50x128xf32, #tpu.memory_space<hbm>>
    %dma_start3A_159 = tpu.memref_squeeze %dma_start3A_158 : memref<1x50x128xf32, #tpu.memory_space<hbm>> -> memref<50x128xf32, #tpu.memory_space<hbm>>
    %dma_start3A_160 = arith.constant 0 : i32
    %dma_start3A_161 = arith.constant 0 : i32
    %dma_start3A_162 = tpu.memref_slice %arg6[%dma_start3A_147, %dma_start3A_160, %dma_start3A_161] : memref<8x50x128xf32, #tpu.memory_space<vmem>> -> memref<1x50x128xf32, #tpu.memory_space<vmem>>
    %dma_start3A_163 = tpu.memref_squeeze %dma_start3A_162 : memref<1x50x128xf32, #tpu.memory_space<vmem>> -> memref<50x128xf32, #tpu.memory_space<vmem>>
    tpu.enqueue_dma source(%dma_start3A_163 : memref<50x128xf32, #tpu.memory_space<vmem>>) target(%dma_start3A_159 : memref<50x128xf32, #tpu.memory_space<hbm>>) target_semaphore(%arg16 : memref<!tpu.dma_semaphore, #tpu.memory_space<semaphore_mem>>)
    %dma_wait3A_164 = arith.constant 122 : i32
    %dma_wait3A_165 = arith.constant 2 : i32
    %dma_wait3A_166 = arith.constant 0 : i32
    %dma_wait3A_167 = arith.constant 0 : i32
    %dma_wait3A_168 = tpu.memref_slice %arg6[%dma_wait3A_165, %dma_wait3A_166, %dma_wait3A_167] : memref<8x50x128xf32, #tpu.memory_space<vmem>> -> memref<1x50x128xf32, #tpu.memory_space<vmem>>
    %dma_wait3A_169 = tpu.memref_squeeze %dma_wait3A_168 : memref<1x50x128xf32, #tpu.memory_space<vmem>> -> memref<50x128xf32, #tpu.memory_space<vmem>>
    %dma_wait3A_170 = arith.constant 0 : i32
    %dma_wait3A_171 = tpu.memref_slice %arg5[%dma_wait3A_164, %dma_wait3A_170] : memref<128x128xi32, #tpu.memory_space<vmem>> -> memref<1x50xi32, #tpu.memory_space<vmem>>
    %dma_wait3A_172 = tpu.memref_squeeze %dma_wait3A_171 : memref<1x50xi32, #tpu.memory_space<vmem>> -> memref<50xi32, #tpu.memory_space<vmem>>
    %dma_wait3A_173 = arith.constant 0 : i32
    %dma_wait3A_174 = arith.constant 0 : i32
    %dma_wait3A_175 = tpu.memref_slice %arg2[%dma_wait3A_173, %dma_wait3A_174] : memref<100000x128xf32, #tpu.memory_space<hbm>> -> memref<100000x128xf32, #tpu.memory_space<hbm>>
    tpu.wait_indirect_dma semaphore(%arg9 : memref<!tpu.dma_semaphore, #tpu.memory_space<semaphore_mem>>) src(%dma_wait3A_175 : memref<100000x128xf32, #tpu.memory_space<hbm>>) dst(%dma_wait3A_169 : memref<50x128xf32, #tpu.memory_space<vmem>>)
    %add3A_176 = arith.constant 122 : i32
    %add3A_177 = arith.addi %mul3A_2, %add3A_176 : i32
    %dma_start3A_178 = arith.constant 2 : i32
    %dma_start3A_179 = arith.constant 0 : i32
    %dma_start3A_180 = arith.constant 0 : i32
    %dma_start3A_181 = tpu.memref_slice %arg6[%dma_start3A_178, %dma_start3A_179, %dma_start3A_180] : memref<8x50x128xf32, #tpu.memory_space<vmem>> -> memref<1x50x128xf32, #tpu.memory_space<vmem>>
    %dma_start3A_182 = tpu.memref_squeeze %dma_start3A_181 : memref<1x50x128xf32, #tpu.memory_space<vmem>> -> memref<50x128xf32, #tpu.memory_space<vmem>>
    %dma_start3A_183 = arith.constant 0 : i32
    %dma_start3A_184 = arith.constant 0 : i32
    %dma_start3A_185 = tpu.memref_slice %arg4[%add3A_177, %dma_start3A_183, %dma_start3A_184] : memref<4096x50x128xf32, #tpu.memory_space<hbm>> -> memref<1x50x128xf32, #tpu.memory_space<hbm>>
    %dma_start3A_186 = tpu.memref_squeeze %dma_start3A_185 : memref<1x50x128xf32, #tpu.memory_space<hbm>> -> memref<50x128xf32, #tpu.memory_space<hbm>>
    %dma_start3A_187 = arith.constant 0 : i32
    %dma_start3A_188 = arith.constant 0 : i32
    %dma_start3A_189 = tpu.memref_slice %arg4[%add3A_177, %dma_start3A_187, %dma_start3A_188] : memref<4096x50x128xf32, #tpu.memory_space<hbm>> -> memref<1x50x128xf32, #tpu.memory_space<hbm>>
    %dma_start3A_190 = tpu.memref_squeeze %dma_start3A_189 : memref<1x50x128xf32, #tpu.memory_space<hbm>> -> memref<50x128xf32, #tpu.memory_space<hbm>>
    %dma_start3A_191 = arith.constant 0 : i32
    %dma_start3A_192 = arith.constant 0 : i32
    %dma_start3A_193 = tpu.memref_slice %arg6[%dma_start3A_178, %dma_start3A_191, %dma_start3A_192] : memref<8x50x128xf32, #tpu.memory_space<vmem>> -> memref<1x50x128xf32, #tpu.memory_space<vmem>>
    %dma_start3A_194 = tpu.memref_squeeze %dma_start3A_193 : memref<1x50x128xf32, #tpu.memory_space<vmem>> -> memref<50x128xf32, #tpu.memory_space<vmem>>
    tpu.enqueue_dma source(%dma_start3A_194 : memref<50x128xf32, #tpu.memory_space<vmem>>) target(%dma_start3A_190 : memref<50x128xf32, #tpu.memory_space<hbm>>) target_semaphore(%arg17 : memref<!tpu.dma_semaphore, #tpu.memory_space<semaphore_mem>>)
    %dma_wait3A_195 = arith.constant 123 : i32
    %dma_wait3A_196 = arith.constant 3 : i32
    %dma_wait3A_197 = arith.constant 0 : i32
    %dma_wait3A_198 = arith.constant 0 : i32
    %dma_wait3A_199 = tpu.memref_slice %arg6[%dma_wait3A_196, %dma_wait3A_197, %dma_wait3A_198] : memref<8x50x128xf32, #tpu.memory_space<vmem>> -> memref<1x50x128xf32, #tpu.memory_space<vmem>>
    %dma_wait3A_200 = tpu.memref_squeeze %dma_wait3A_199 : memref<1x50x128xf32, #tpu.memory_space<vmem>> -> memref<50x128xf32, #tpu.memory_space<vmem>>
    %dma_wait3A_201 = arith.constant 0 : i32
    %dma_wait3A_202 = tpu.memref_slice %arg5[%dma_wait3A_195, %dma_wait3A_201] : memref<128x128xi32, #tpu.memory_space<vmem>> -> memref<1x50xi32, #tpu.memory_space<vmem>>
    %dma_wait3A_203 = tpu.memref_squeeze %dma_wait3A_202 : memref<1x50xi32, #tpu.memory_space<vmem>> -> memref<50xi32, #tpu.memory_space<vmem>>
    %dma_wait3A_204 = arith.constant 0 : i32
    %dma_wait3A_205 = arith.constant 0 : i32
    %dma_wait3A_206 = tpu.memref_slice %arg2[%dma_wait3A_204, %dma_wait3A_205] : memref<100000x128xf32, #tpu.memory_space<hbm>> -> memref<100000x128xf32, #tpu.memory_space<hbm>>
    tpu.wait_indirect_dma semaphore(%arg10 : memref<!tpu.dma_semaphore, #tpu.memory_space<semaphore_mem>>) src(%dma_wait3A_206 : memref<100000x128xf32, #tpu.memory_space<hbm>>) dst(%dma_wait3A_200 : memref<50x128xf32, #tpu.memory_space<vmem>>)
    %add3A_207 = arith.constant 123 : i32
    %add3A_208 = arith.addi %mul3A_2, %add3A_207 : i32
    %dma_start3A_209 = arith.constant 3 : i32
    %dma_start3A_210 = arith.constant 0 : i32
    %dma_start3A_211 = arith.constant 0 : i32
    %dma_start3A_212 = tpu.memref_slice %arg6[%dma_start3A_209, %dma_start3A_210, %dma_start3A_211] : memref<8x50x128xf32, #tpu.memory_space<vmem>> -> memref<1x50x128xf32, #tpu.memory_space<vmem>>
    %dma_start3A_213 = tpu.memref_squeeze %dma_start3A_212 : memref<1x50x128xf32, #tpu.memory_space<vmem>> -> memref<50x128xf32, #tpu.memory_space<vmem>>
    %dma_start3A_214 = arith.constant 0 : i32
    %dma_start3A_215 = arith.constant 0 : i32
    %dma_start3A_216 = tpu.memref_slice %arg4[%add3A_208, %dma_start3A_214, %dma_start3A_215] : memref<4096x50x128xf32, #tpu.memory_space<hbm>> -> memref<1x50x128xf32, #tpu.memory_space<hbm>>
    %dma_start3A_217 = tpu.memref_squeeze %dma_start3A_216 : memref<1x50x128xf32, #tpu.memory_space<hbm>> -> memref<50x128xf32, #tpu.memory_space<hbm>>
    %dma_start3A_218 = arith.constant 0 : i32
    %dma_start3A_219 = arith.constant 0 : i32
    %dma_start3A_220 = tpu.memref_slice %arg4[%add3A_208, %dma_start3A_218, %dma_start3A_219] : memref<4096x50x128xf32, #tpu.memory_space<hbm>> -> memref<1x50x128xf32, #tpu.memory_space<hbm>>
    %dma_start3A_221 = tpu.memref_squeeze %dma_start3A_220 : memref<1x50x128xf32, #tpu.memory_space<hbm>> -> memref<50x128xf32, #tpu.memory_space<hbm>>
    %dma_start3A_222 = arith.constant 0 : i32
    %dma_start3A_223 = arith.constant 0 : i32
    %dma_start3A_224 = tpu.memref_slice %arg6[%dma_start3A_209, %dma_start3A_222, %dma_start3A_223] : memref<8x50x128xf32, #tpu.memory_space<vmem>> -> memref<1x50x128xf32, #tpu.memory_space<vmem>>
    %dma_start3A_225 = tpu.memref_squeeze %dma_start3A_224 : memref<1x50x128xf32, #tpu.memory_space<vmem>> -> memref<50x128xf32, #tpu.memory_space<vmem>>
    tpu.enqueue_dma source(%dma_start3A_225 : memref<50x128xf32, #tpu.memory_space<vmem>>) target(%dma_start3A_221 : memref<50x128xf32, #tpu.memory_space<hbm>>) target_semaphore(%arg18 : memref<!tpu.dma_semaphore, #tpu.memory_space<semaphore_mem>>)
    %dma_wait3A_226 = arith.constant 124 : i32
    %dma_wait3A_227 = arith.constant 4 : i32
    %dma_wait3A_228 = arith.constant 0 : i32
    %dma_wait3A_229 = arith.constant 0 : i32
    %dma_wait3A_230 = tpu.memref_slice %arg6[%dma_wait3A_227, %dma_wait3A_228, %dma_wait3A_229] : memref<8x50x128xf32, #tpu.memory_space<vmem>> -> memref<1x50x128xf32, #tpu.memory_space<vmem>>
    %dma_wait3A_231 = tpu.memref_squeeze %dma_wait3A_230 : memref<1x50x128xf32, #tpu.memory_space<vmem>> -> memref<50x128xf32, #tpu.memory_space<vmem>>
    %dma_wait3A_232 = arith.constant 0 : i32
    %dma_wait3A_233 = tpu.memref_slice %arg5[%dma_wait3A_226, %dma_wait3A_232] : memref<128x128xi32, #tpu.memory_space<vmem>> -> memref<1x50xi32, #tpu.memory_space<vmem>>
    %dma_wait3A_234 = tpu.memref_squeeze %dma_wait3A_233 : memref<1x50xi32, #tpu.memory_space<vmem>> -> memref<50xi32, #tpu.memory_space<vmem>>
    %dma_wait3A_235 = arith.constant 0 : i32
    %dma_wait3A_236 = arith.constant 0 : i32
    %dma_wait3A_237 = tpu.memref_slice %arg2[%dma_wait3A_235, %dma_wait3A_236] : memref<100000x128xf32, #tpu.memory_space<hbm>> -> memref<100000x128xf32, #tpu.memory_space<hbm>>
    tpu.wait_indirect_dma semaphore(%arg11 : memref<!tpu.dma_semaphore, #tpu.memory_space<semaphore_mem>>) src(%dma_wait3A_237 : memref<100000x128xf32, #tpu.memory_space<hbm>>) dst(%dma_wait3A_231 : memref<50x128xf32, #tpu.memory_space<vmem>>)
    %add3A_238 = arith.constant 124 : i32
    %add3A_239 = arith.addi %mul3A_2, %add3A_238 : i32
    %dma_start3A_240 = arith.constant 4 : i32
    %dma_start3A_241 = arith.constant 0 : i32
    %dma_start3A_242 = arith.constant 0 : i32
    %dma_start3A_243 = tpu.memref_slice %arg6[%dma_start3A_240, %dma_start3A_241, %dma_start3A_242] : memref<8x50x128xf32, #tpu.memory_space<vmem>> -> memref<1x50x128xf32, #tpu.memory_space<vmem>>
    %dma_start3A_244 = tpu.memref_squeeze %dma_start3A_243 : memref<1x50x128xf32, #tpu.memory_space<vmem>> -> memref<50x128xf32, #tpu.memory_space<vmem>>
    %dma_start3A_245 = arith.constant 0 : i32
    %dma_start3A_246 = arith.constant 0 : i32
    %dma_start3A_247 = tpu.memref_slice %arg4[%add3A_239, %dma_start3A_245, %dma_start3A_246] : memref<4096x50x128xf32, #tpu.memory_space<hbm>> -> memref<1x50x128xf32, #tpu.memory_space<hbm>>
    %dma_start3A_248 = tpu.memref_squeeze %dma_start3A_247 : memref<1x50x128xf32, #tpu.memory_space<hbm>> -> memref<50x128xf32, #tpu.memory_space<hbm>>
    %dma_start3A_249 = arith.constant 0 : i32
    %dma_start3A_250 = arith.constant 0 : i32
    %dma_start3A_251 = tpu.memref_slice %arg4[%add3A_239, %dma_start3A_249, %dma_start3A_250] : memref<4096x50x128xf32, #tpu.memory_space<hbm>> -> memref<1x50x128xf32, #tpu.memory_space<hbm>>
    %dma_start3A_252 = tpu.memref_squeeze %dma_start3A_251 : memref<1x50x128xf32, #tpu.memory_space<hbm>> -> memref<50x128xf32, #tpu.memory_space<hbm>>
    %dma_start3A_253 = arith.constant 0 : i32
    %dma_start3A_254 = arith.constant 0 : i32
    %dma_start3A_255 = tpu.memref_slice %arg6[%dma_start3A_240, %dma_start3A_253, %dma_start3A_254] : memref<8x50x128xf32, #tpu.memory_space<vmem>> -> memref<1x50x128xf32, #tpu.memory_space<vmem>>
    %dma_start3A_256 = tpu.memref_squeeze %dma_start3A_255 : memref<1x50x128xf32, #tpu.memory_space<vmem>> -> memref<50x128xf32, #tpu.memory_space<vmem>>
    tpu.enqueue_dma source(%dma_start3A_256 : memref<50x128xf32, #tpu.memory_space<vmem>>) target(%dma_start3A_252 : memref<50x128xf32, #tpu.memory_space<hbm>>) target_semaphore(%arg19 : memref<!tpu.dma_semaphore, #tpu.memory_space<semaphore_mem>>)
    %dma_wait3A_257 = arith.constant 125 : i32
    %dma_wait3A_258 = arith.constant 5 : i32
    %dma_wait3A_259 = arith.constant 0 : i32
    %dma_wait3A_260 = arith.constant 0 : i32
    %dma_wait3A_261 = tpu.memref_slice %arg6[%dma_wait3A_258, %dma_wait3A_259, %dma_wait3A_260] : memref<8x50x128xf32, #tpu.memory_space<vmem>> -> memref<1x50x128xf32, #tpu.memory_space<vmem>>
    %dma_wait3A_262 = tpu.memref_squeeze %dma_wait3A_261 : memref<1x50x128xf32, #tpu.memory_space<vmem>> -> memref<50x128xf32, #tpu.memory_space<vmem>>
    %dma_wait3A_263 = arith.constant 0 : i32
    %dma_wait3A_264 = tpu.memref_slice %arg5[%dma_wait3A_257, %dma_wait3A_263] : memref<128x128xi32, #tpu.memory_space<vmem>> -> memref<1x50xi32, #tpu.memory_space<vmem>>
    %dma_wait3A_265 = tpu.memref_squeeze %dma_wait3A_264 : memref<1x50xi32, #tpu.memory_space<vmem>> -> memref<50xi32, #tpu.memory_space<vmem>>
    %dma_wait3A_266 = arith.constant 0 : i32
    %dma_wait3A_267 = arith.constant 0 : i32
    %dma_wait3A_268 = tpu.memref_slice %arg2[%dma_wait3A_266, %dma_wait3A_267] : memref<100000x128xf32, #tpu.memory_space<hbm>> -> memref<100000x128xf32, #tpu.memory_space<hbm>>
    tpu.wait_indirect_dma semaphore(%arg12 : memref<!tpu.dma_semaphore, #tpu.memory_space<semaphore_mem>>) src(%dma_wait3A_268 : memref<100000x128xf32, #tpu.memory_space<hbm>>) dst(%dma_wait3A_262 : memref<50x128xf32, #tpu.memory_space<vmem>>)
    %add3A_269 = arith.constant 125 : i32
    %add3A_270 = arith.addi %mul3A_2, %add3A_269 : i32
    %dma_start3A_271 = arith.constant 5 : i32
    %dma_start3A_272 = arith.constant 0 : i32
    %dma_start3A_273 = arith.constant 0 : i32
    %dma_start3A_274 = tpu.memref_slice %arg6[%dma_start3A_271, %dma_start3A_272, %dma_start3A_273] : memref<8x50x128xf32, #tpu.memory_space<vmem>> -> memref<1x50x128xf32, #tpu.memory_space<vmem>>
    %dma_start3A_275 = tpu.memref_squeeze %dma_start3A_274 : memref<1x50x128xf32, #tpu.memory_space<vmem>> -> memref<50x128xf32, #tpu.memory_space<vmem>>
    %dma_start3A_276 = arith.constant 0 : i32
    %dma_start3A_277 = arith.constant 0 : i32
    %dma_start3A_278 = tpu.memref_slice %arg4[%add3A_270, %dma_start3A_276, %dma_start3A_277] : memref<4096x50x128xf32, #tpu.memory_space<hbm>> -> memref<1x50x128xf32, #tpu.memory_space<hbm>>
    %dma_start3A_279 = tpu.memref_squeeze %dma_start3A_278 : memref<1x50x128xf32, #tpu.memory_space<hbm>> -> memref<50x128xf32, #tpu.memory_space<hbm>>
    %dma_start3A_280 = arith.constant 0 : i32
    %dma_start3A_281 = arith.constant 0 : i32
    %dma_start3A_282 = tpu.memref_slice %arg4[%add3A_270, %dma_start3A_280, %dma_start3A_281] : memref<4096x50x128xf32, #tpu.memory_space<hbm>> -> memref<1x50x128xf32, #tpu.memory_space<hbm>>
    %dma_start3A_283 = tpu.memref_squeeze %dma_start3A_282 : memref<1x50x128xf32, #tpu.memory_space<hbm>> -> memref<50x128xf32, #tpu.memory_space<hbm>>
    %dma_start3A_284 = arith.constant 0 : i32
    %dma_start3A_285 = arith.constant 0 : i32
    %dma_start3A_286 = tpu.memref_slice %arg6[%dma_start3A_271, %dma_start3A_284, %dma_start3A_285] : memref<8x50x128xf32, #tpu.memory_space<vmem>> -> memref<1x50x128xf32, #tpu.memory_space<vmem>>
    %dma_start3A_287 = tpu.memref_squeeze %dma_start3A_286 : memref<1x50x128xf32, #tpu.memory_space<vmem>> -> memref<50x128xf32, #tpu.memory_space<vmem>>
    tpu.enqueue_dma source(%dma_start3A_287 : memref<50x128xf32, #tpu.memory_space<vmem>>) target(%dma_start3A_283 : memref<50x128xf32, #tpu.memory_space<hbm>>) target_semaphore(%arg20 : memref<!tpu.dma_semaphore, #tpu.memory_space<semaphore_mem>>)
    %dma_wait3A_288 = arith.constant 126 : i32
    %dma_wait3A_289 = arith.constant 6 : i32
    %dma_wait3A_290 = arith.constant 0 : i32
    %dma_wait3A_291 = arith.constant 0 : i32
    %dma_wait3A_292 = tpu.memref_slice %arg6[%dma_wait3A_289, %dma_wait3A_290, %dma_wait3A_291] : memref<8x50x128xf32, #tpu.memory_space<vmem>> -> memref<1x50x128xf32, #tpu.memory_space<vmem>>
    %dma_wait3A_293 = tpu.memref_squeeze %dma_wait3A_292 : memref<1x50x128xf32, #tpu.memory_space<vmem>> -> memref<50x128xf32, #tpu.memory_space<vmem>>
    %dma_wait3A_294 = arith.constant 0 : i32
    %dma_wait3A_295 = tpu.memref_slice %arg5[%dma_wait3A_288, %dma_wait3A_294] : memref<128x128xi32, #tpu.memory_space<vmem>> -> memref<1x50xi32, #tpu.memory_space<vmem>>
    %dma_wait3A_296 = tpu.memref_squeeze %dma_wait3A_295 : memref<1x50xi32, #tpu.memory_space<vmem>> -> memref<50xi32, #tpu.memory_space<vmem>>
    %dma_wait3A_297 = arith.constant 0 : i32
    %dma_wait3A_298 = arith.constant 0 : i32
    %dma_wait3A_299 = tpu.memref_slice %arg2[%dma_wait3A_297, %dma_wait3A_298] : memref<100000x128xf32, #tpu.memory_space<hbm>> -> memref<100000x128xf32, #tpu.memory_space<hbm>>
    tpu.wait_indirect_dma semaphore(%arg13 : memref<!tpu.dma_semaphore, #tpu.memory_space<semaphore_mem>>) src(%dma_wait3A_299 : memref<100000x128xf32, #tpu.memory_space<hbm>>) dst(%dma_wait3A_293 : memref<50x128xf32, #tpu.memory_space<vmem>>)
    %add3A_300 = arith.constant 126 : i32
    %add3A_301 = arith.addi %mul3A_2, %add3A_300 : i32
    %dma_start3A_302 = arith.constant 6 : i32
    %dma_start3A_303 = arith.constant 0 : i32
    %dma_start3A_304 = arith.constant 0 : i32
    %dma_start3A_305 = tpu.memref_slice %arg6[%dma_start3A_302, %dma_start3A_303, %dma_start3A_304] : memref<8x50x128xf32, #tpu.memory_space<vmem>> -> memref<1x50x128xf32, #tpu.memory_space<vmem>>
    %dma_start3A_306 = tpu.memref_squeeze %dma_start3A_305 : memref<1x50x128xf32, #tpu.memory_space<vmem>> -> memref<50x128xf32, #tpu.memory_space<vmem>>
    %dma_start3A_307 = arith.constant 0 : i32
    %dma_start3A_308 = arith.constant 0 : i32
    %dma_start3A_309 = tpu.memref_slice %arg4[%add3A_301, %dma_start3A_307, %dma_start3A_308] : memref<4096x50x128xf32, #tpu.memory_space<hbm>> -> memref<1x50x128xf32, #tpu.memory_space<hbm>>
    %dma_start3A_310 = tpu.memref_squeeze %dma_start3A_309 : memref<1x50x128xf32, #tpu.memory_space<hbm>> -> memref<50x128xf32, #tpu.memory_space<hbm>>
    %dma_start3A_311 = arith.constant 0 : i32
    %dma_start3A_312 = arith.constant 0 : i32
    %dma_start3A_313 = tpu.memref_slice %arg4[%add3A_301, %dma_start3A_311, %dma_start3A_312] : memref<4096x50x128xf32, #tpu.memory_space<hbm>> -> memref<1x50x128xf32, #tpu.memory_space<hbm>>
    %dma_start3A_314 = tpu.memref_squeeze %dma_start3A_313 : memref<1x50x128xf32, #tpu.memory_space<hbm>> -> memref<50x128xf32, #tpu.memory_space<hbm>>
    %dma_start3A_315 = arith.constant 0 : i32
    %dma_start3A_316 = arith.constant 0 : i32
    %dma_start3A_317 = tpu.memref_slice %arg6[%dma_start3A_302, %dma_start3A_315, %dma_start3A_316] : memref<8x50x128xf32, #tpu.memory_space<vmem>> -> memref<1x50x128xf32, #tpu.memory_space<vmem>>
    %dma_start3A_318 = tpu.memref_squeeze %dma_start3A_317 : memref<1x50x128xf32, #tpu.memory_space<vmem>> -> memref<50x128xf32, #tpu.memory_space<vmem>>
    tpu.enqueue_dma source(%dma_start3A_318 : memref<50x128xf32, #tpu.memory_space<vmem>>) target(%dma_start3A_314 : memref<50x128xf32, #tpu.memory_space<hbm>>) target_semaphore(%arg21 : memref<!tpu.dma_semaphore, #tpu.memory_space<semaphore_mem>>)
    %dma_wait3A_319 = arith.constant 127 : i32
    %dma_wait3A_320 = arith.constant 7 : i32
    %dma_wait3A_321 = arith.constant 0 : i32
    %dma_wait3A_322 = arith.constant 0 : i32
    %dma_wait3A_323 = tpu.memref_slice %arg6[%dma_wait3A_320, %dma_wait3A_321, %dma_wait3A_322] : memref<8x50x128xf32, #tpu.memory_space<vmem>> -> memref<1x50x128xf32, #tpu.memory_space<vmem>>
    %dma_wait3A_324 = tpu.memref_squeeze %dma_wait3A_323 : memref<1x50x128xf32, #tpu.memory_space<vmem>> -> memref<50x128xf32, #tpu.memory_space<vmem>>
    %dma_wait3A_325 = arith.constant 0 : i32
    %dma_wait3A_326 = tpu.memref_slice %arg5[%dma_wait3A_319, %dma_wait3A_325] : memref<128x128xi32, #tpu.memory_space<vmem>> -> memref<1x50xi32, #tpu.memory_space<vmem>>
    %dma_wait3A_327 = tpu.memref_squeeze %dma_wait3A_326 : memref<1x50xi32, #tpu.memory_space<vmem>> -> memref<50xi32, #tpu.memory_space<vmem>>
    %dma_wait3A_328 = arith.constant 0 : i32
    %dma_wait3A_329 = arith.constant 0 : i32
    %dma_wait3A_330 = tpu.memref_slice %arg2[%dma_wait3A_328, %dma_wait3A_329] : memref<100000x128xf32, #tpu.memory_space<hbm>> -> memref<100000x128xf32, #tpu.memory_space<hbm>>
    tpu.wait_indirect_dma semaphore(%arg14 : memref<!tpu.dma_semaphore, #tpu.memory_space<semaphore_mem>>) src(%dma_wait3A_330 : memref<100000x128xf32, #tpu.memory_space<hbm>>) dst(%dma_wait3A_324 : memref<50x128xf32, #tpu.memory_space<vmem>>)
    %add3A_331 = arith.constant 127 : i32
    %add3A_332 = arith.addi %mul3A_2, %add3A_331 : i32
    %dma_start3A_333 = arith.constant 7 : i32
    %dma_start3A_334 = arith.constant 0 : i32
    %dma_start3A_335 = arith.constant 0 : i32
    %dma_start3A_336 = tpu.memref_slice %arg6[%dma_start3A_333, %dma_start3A_334, %dma_start3A_335] : memref<8x50x128xf32, #tpu.memory_space<vmem>> -> memref<1x50x128xf32, #tpu.memory_space<vmem>>
    %dma_start3A_337 = tpu.memref_squeeze %dma_start3A_336 : memref<1x50x128xf32, #tpu.memory_space<vmem>> -> memref<50x128xf32, #tpu.memory_space<vmem>>
    %dma_start3A_338 = arith.constant 0 : i32
    %dma_start3A_339 = arith.constant 0 : i32
    %dma_start3A_340 = tpu.memref_slice %arg4[%add3A_332, %dma_start3A_338, %dma_start3A_339] : memref<4096x50x128xf32, #tpu.memory_space<hbm>> -> memref<1x50x128xf32, #tpu.memory_space<hbm>>
    %dma_start3A_341 = tpu.memref_squeeze %dma_start3A_340 : memref<1x50x128xf32, #tpu.memory_space<hbm>> -> memref<50x128xf32, #tpu.memory_space<hbm>>
    %dma_start3A_342 = arith.constant 0 : i32
    %dma_start3A_343 = arith.constant 0 : i32
    %dma_start3A_344 = tpu.memref_slice %arg4[%add3A_332, %dma_start3A_342, %dma_start3A_343] : memref<4096x50x128xf32, #tpu.memory_space<hbm>> -> memref<1x50x128xf32, #tpu.memory_space<hbm>>
    %dma_start3A_345 = tpu.memref_squeeze %dma_start3A_344 : memref<1x50x128xf32, #tpu.memory_space<hbm>> -> memref<50x128xf32, #tpu.memory_space<hbm>>
    %dma_start3A_346 = arith.constant 0 : i32
    %dma_start3A_347 = arith.constant 0 : i32
    %dma_start3A_348 = tpu.memref_slice %arg6[%dma_start3A_333, %dma_start3A_346, %dma_start3A_347] : memref<8x50x128xf32, #tpu.memory_space<vmem>> -> memref<1x50x128xf32, #tpu.memory_space<vmem>>
    %dma_start3A_349 = tpu.memref_squeeze %dma_start3A_348 : memref<1x50x128xf32, #tpu.memory_space<vmem>> -> memref<50x128xf32, #tpu.memory_space<vmem>>
    tpu.enqueue_dma source(%dma_start3A_349 : memref<50x128xf32, #tpu.memory_space<vmem>>) target(%dma_start3A_345 : memref<50x128xf32, #tpu.memory_space<hbm>>) target_semaphore(%arg22 : memref<!tpu.dma_semaphore, #tpu.memory_space<semaphore_mem>>)
    %dma_wait3A_350 = arith.constant 0 : i32
    %dma_wait3A_351 = arith.constant 0 : i32
    %dma_wait3A_352 = arith.constant 0 : i32
    %dma_wait3A_353 = tpu.memref_slice %arg6[%dma_wait3A_350, %dma_wait3A_351, %dma_wait3A_352] : memref<8x50x128xf32, #tpu.memory_space<vmem>> -> memref<1x50x128xf32, #tpu.memory_space<vmem>>
    %dma_wait3A_354 = tpu.memref_squeeze %dma_wait3A_353 : memref<1x50x128xf32, #tpu.memory_space<vmem>> -> memref<50x128xf32, #tpu.memory_space<vmem>>
    %dma_wait3A_355 = arith.constant 0 : i32
    %dma_wait3A_356 = arith.constant 0 : i32
    %dma_wait3A_357 = tpu.memref_slice %arg4[%add3A_115, %dma_wait3A_355, %dma_wait3A_356] : memref<4096x50x128xf32, #tpu.memory_space<hbm>> -> memref<1x50x128xf32, #tpu.memory_space<hbm>>
    %dma_wait3A_358 = tpu.memref_squeeze %dma_wait3A_357 : memref<1x50x128xf32, #tpu.memory_space<hbm>> -> memref<50x128xf32, #tpu.memory_space<hbm>>
    %dma_wait3A_359 = arith.constant 0 : i32
    %dma_wait3A_360 = arith.constant 0 : i32
    %dma_wait3A_361 = tpu.memref_slice %arg4[%add3A_115, %dma_wait3A_359, %dma_wait3A_360] : memref<4096x50x128xf32, #tpu.memory_space<hbm>> -> memref<1x50x128xf32, #tpu.memory_space<hbm>>
    %dma_wait3A_362 = tpu.memref_squeeze %dma_wait3A_361 : memref<1x50x128xf32, #tpu.memory_space<hbm>> -> memref<50x128xf32, #tpu.memory_space<hbm>>
    %dma_wait3A_363 = arith.constant 0 : i32
    %dma_wait3A_364 = arith.constant 0 : i32
    %dma_wait3A_365 = tpu.memref_slice %arg6[%dma_wait3A_350, %dma_wait3A_363, %dma_wait3A_364] : memref<8x50x128xf32, #tpu.memory_space<vmem>> -> memref<1x50x128xf32, #tpu.memory_space<vmem>>
    %dma_wait3A_366 = tpu.memref_squeeze %dma_wait3A_365 : memref<1x50x128xf32, #tpu.memory_space<vmem>> -> memref<50x128xf32, #tpu.memory_space<vmem>>
    tpu.wait_dma2 semaphore(%arg15 : memref<!tpu.dma_semaphore, #tpu.memory_space<semaphore_mem>>) src(%dma_wait3A_366 : memref<50x128xf32, #tpu.memory_space<vmem>>) dst(%dma_wait3A_362 : memref<50x128xf32, #tpu.memory_space<hbm>>)
    %dma_wait3A_367 = arith.constant 1 : i32
    %dma_wait3A_368 = arith.constant 0 : i32
    %dma_wait3A_369 = arith.constant 0 : i32
    %dma_wait3A_370 = tpu.memref_slice %arg6[%dma_wait3A_367, %dma_wait3A_368, %dma_wait3A_369] : memref<8x50x128xf32, #tpu.memory_space<vmem>> -> memref<1x50x128xf32, #tpu.memory_space<vmem>>
    %dma_wait3A_371 = tpu.memref_squeeze %dma_wait3A_370 : memref<1x50x128xf32, #tpu.memory_space<vmem>> -> memref<50x128xf32, #tpu.memory_space<vmem>>
    %dma_wait3A_372 = arith.constant 0 : i32
    %dma_wait3A_373 = arith.constant 0 : i32
    %dma_wait3A_374 = tpu.memref_slice %arg4[%add3A_146, %dma_wait3A_372, %dma_wait3A_373] : memref<4096x50x128xf32, #tpu.memory_space<hbm>> -> memref<1x50x128xf32, #tpu.memory_space<hbm>>
    %dma_wait3A_375 = tpu.memref_squeeze %dma_wait3A_374 : memref<1x50x128xf32, #tpu.memory_space<hbm>> -> memref<50x128xf32, #tpu.memory_space<hbm>>
    %dma_wait3A_376 = arith.constant 0 : i32
    %dma_wait3A_377 = arith.constant 0 : i32
    %dma_wait3A_378 = tpu.memref_slice %arg4[%add3A_146, %dma_wait3A_376, %dma_wait3A_377] : memref<4096x50x128xf32, #tpu.memory_space<hbm>> -> memref<1x50x128xf32, #tpu.memory_space<hbm>>
    %dma_wait3A_379 = tpu.memref_squeeze %dma_wait3A_378 : memref<1x50x128xf32, #tpu.memory_space<hbm>> -> memref<50x128xf32, #tpu.memory_space<hbm>>
    %dma_wait3A_380 = arith.constant 0 : i32
    %dma_wait3A_381 = arith.constant 0 : i32
    %dma_wait3A_382 = tpu.memref_slice %arg6[%dma_wait3A_367, %dma_wait3A_380, %dma_wait3A_381] : memref<8x50x128xf32, #tpu.memory_space<vmem>> -> memref<1x50x128xf32, #tpu.memory_space<vmem>>
    %dma_wait3A_383 = tpu.memref_squeeze %dma_wait3A_382 : memref<1x50x128xf32, #tpu.memory_space<vmem>> -> memref<50x128xf32, #tpu.memory_space<vmem>>
    tpu.wait_dma2 semaphore(%arg16 : memref<!tpu.dma_semaphore, #tpu.memory_space<semaphore_mem>>) src(%dma_wait3A_383 : memref<50x128xf32, #tpu.memory_space<vmem>>) dst(%dma_wait3A_379 : memref<50x128xf32, #tpu.memory_space<hbm>>)
    %dma_wait3A_384 = arith.constant 2 : i32
    %dma_wait3A_385 = arith.constant 0 : i32
    %dma_wait3A_386 = arith.constant 0 : i32
    %dma_wait3A_387 = tpu.memref_slice %arg6[%dma_wait3A_384, %dma_wait3A_385, %dma_wait3A_386] : memref<8x50x128xf32, #tpu.memory_space<vmem>> -> memref<1x50x128xf32, #tpu.memory_space<vmem>>
    %dma_wait3A_388 = tpu.memref_squeeze %dma_wait3A_387 : memref<1x50x128xf32, #tpu.memory_space<vmem>> -> memref<50x128xf32, #tpu.memory_space<vmem>>
    %dma_wait3A_389 = arith.constant 0 : i32
    %dma_wait3A_390 = arith.constant 0 : i32
    %dma_wait3A_391 = tpu.memref_slice %arg4[%add3A_177, %dma_wait3A_389, %dma_wait3A_390] : memref<4096x50x128xf32, #tpu.memory_space<hbm>> -> memref<1x50x128xf32, #tpu.memory_space<hbm>>
    %dma_wait3A_392 = tpu.memref_squeeze %dma_wait3A_391 : memref<1x50x128xf32, #tpu.memory_space<hbm>> -> memref<50x128xf32, #tpu.memory_space<hbm>>
    %dma_wait3A_393 = arith.constant 0 : i32
    %dma_wait3A_394 = arith.constant 0 : i32
    %dma_wait3A_395 = tpu.memref_slice %arg4[%add3A_177, %dma_wait3A_393, %dma_wait3A_394] : memref<4096x50x128xf32, #tpu.memory_space<hbm>> -> memref<1x50x128xf32, #tpu.memory_space<hbm>>
    %dma_wait3A_396 = tpu.memref_squeeze %dma_wait3A_395 : memref<1x50x128xf32, #tpu.memory_space<hbm>> -> memref<50x128xf32, #tpu.memory_space<hbm>>
    %dma_wait3A_397 = arith.constant 0 : i32
    %dma_wait3A_398 = arith.constant 0 : i32
    %dma_wait3A_399 = tpu.memref_slice %arg6[%dma_wait3A_384, %dma_wait3A_397, %dma_wait3A_398] : memref<8x50x128xf32, #tpu.memory_space<vmem>> -> memref<1x50x128xf32, #tpu.memory_space<vmem>>
    %dma_wait3A_400 = tpu.memref_squeeze %dma_wait3A_399 : memref<1x50x128xf32, #tpu.memory_space<vmem>> -> memref<50x128xf32, #tpu.memory_space<vmem>>
    tpu.wait_dma2 semaphore(%arg17 : memref<!tpu.dma_semaphore, #tpu.memory_space<semaphore_mem>>) src(%dma_wait3A_400 : memref<50x128xf32, #tpu.memory_space<vmem>>) dst(%dma_wait3A_396 : memref<50x128xf32, #tpu.memory_space<hbm>>)
    %dma_wait3A_401 = arith.constant 3 : i32
    %dma_wait3A_402 = arith.constant 0 : i32
    %dma_wait3A_403 = arith.constant 0 : i32
    %dma_wait3A_404 = tpu.memref_slice %arg6[%dma_wait3A_401, %dma_wait3A_402, %dma_wait3A_403] : memref<8x50x128xf32, #tpu.memory_space<vmem>> -> memref<1x50x128xf32, #tpu.memory_space<vmem>>
    %dma_wait3A_405 = tpu.memref_squeeze %dma_wait3A_404 : memref<1x50x128xf32, #tpu.memory_space<vmem>> -> memref<50x128xf32, #tpu.memory_space<vmem>>
    %dma_wait3A_406 = arith.constant 0 : i32
    %dma_wait3A_407 = arith.constant 0 : i32
    %dma_wait3A_408 = tpu.memref_slice %arg4[%add3A_208, %dma_wait3A_406, %dma_wait3A_407] : memref<4096x50x128xf32, #tpu.memory_space<hbm>> -> memref<1x50x128xf32, #tpu.memory_space<hbm>>
    %dma_wait3A_409 = tpu.memref_squeeze %dma_wait3A_408 : memref<1x50x128xf32, #tpu.memory_space<hbm>> -> memref<50x128xf32, #tpu.memory_space<hbm>>
    %dma_wait3A_410 = arith.constant 0 : i32
    %dma_wait3A_411 = arith.constant 0 : i32
    %dma_wait3A_412 = tpu.memref_slice %arg4[%add3A_208, %dma_wait3A_410, %dma_wait3A_411] : memref<4096x50x128xf32, #tpu.memory_space<hbm>> -> memref<1x50x128xf32, #tpu.memory_space<hbm>>
    %dma_wait3A_413 = tpu.memref_squeeze %dma_wait3A_412 : memref<1x50x128xf32, #tpu.memory_space<hbm>> -> memref<50x128xf32, #tpu.memory_space<hbm>>
    %dma_wait3A_414 = arith.constant 0 : i32
    %dma_wait3A_415 = arith.constant 0 : i32
    %dma_wait3A_416 = tpu.memref_slice %arg6[%dma_wait3A_401, %dma_wait3A_414, %dma_wait3A_415] : memref<8x50x128xf32, #tpu.memory_space<vmem>> -> memref<1x50x128xf32, #tpu.memory_space<vmem>>
    %dma_wait3A_417 = tpu.memref_squeeze %dma_wait3A_416 : memref<1x50x128xf32, #tpu.memory_space<vmem>> -> memref<50x128xf32, #tpu.memory_space<vmem>>
    tpu.wait_dma2 semaphore(%arg18 : memref<!tpu.dma_semaphore, #tpu.memory_space<semaphore_mem>>) src(%dma_wait3A_417 : memref<50x128xf32, #tpu.memory_space<vmem>>) dst(%dma_wait3A_413 : memref<50x128xf32, #tpu.memory_space<hbm>>)
    %dma_wait3A_418 = arith.constant 4 : i32
    %dma_wait3A_419 = arith.constant 0 : i32
    %dma_wait3A_420 = arith.constant 0 : i32
    %dma_wait3A_421 = tpu.memref_slice %arg6[%dma_wait3A_418, %dma_wait3A_419, %dma_wait3A_420] : memref<8x50x128xf32, #tpu.memory_space<vmem>> -> memref<1x50x128xf32, #tpu.memory_space<vmem>>
    %dma_wait3A_422 = tpu.memref_squeeze %dma_wait3A_421 : memref<1x50x128xf32, #tpu.memory_space<vmem>> -> memref<50x128xf32, #tpu.memory_space<vmem>>
    %dma_wait3A_423 = arith.constant 0 : i32
    %dma_wait3A_424 = arith.constant 0 : i32
    %dma_wait3A_425 = tpu.memref_slice %arg4[%add3A_239, %dma_wait3A_423, %dma_wait3A_424] : memref<4096x50x128xf32, #tpu.memory_space<hbm>> -> memref<1x50x128xf32, #tpu.memory_space<hbm>>
    %dma_wait3A_426 = tpu.memref_squeeze %dma_wait3A_425 : memref<1x50x128xf32, #tpu.memory_space<hbm>> -> memref<50x128xf32, #tpu.memory_space<hbm>>
    %dma_wait3A_427 = arith.constant 0 : i32
    %dma_wait3A_428 = arith.constant 0 : i32
    %dma_wait3A_429 = tpu.memref_slice %arg4[%add3A_239, %dma_wait3A_427, %dma_wait3A_428] : memref<4096x50x128xf32, #tpu.memory_space<hbm>> -> memref<1x50x128xf32, #tpu.memory_space<hbm>>
    %dma_wait3A_430 = tpu.memref_squeeze %dma_wait3A_429 : memref<1x50x128xf32, #tpu.memory_space<hbm>> -> memref<50x128xf32, #tpu.memory_space<hbm>>
    %dma_wait3A_431 = arith.constant 0 : i32
    %dma_wait3A_432 = arith.constant 0 : i32
    %dma_wait3A_433 = tpu.memref_slice %arg6[%dma_wait3A_418, %dma_wait3A_431, %dma_wait3A_432] : memref<8x50x128xf32, #tpu.memory_space<vmem>> -> memref<1x50x128xf32, #tpu.memory_space<vmem>>
    %dma_wait3A_434 = tpu.memref_squeeze %dma_wait3A_433 : memref<1x50x128xf32, #tpu.memory_space<vmem>> -> memref<50x128xf32, #tpu.memory_space<vmem>>
    tpu.wait_dma2 semaphore(%arg19 : memref<!tpu.dma_semaphore, #tpu.memory_space<semaphore_mem>>) src(%dma_wait3A_434 : memref<50x128xf32, #tpu.memory_space<vmem>>) dst(%dma_wait3A_430 : memref<50x128xf32, #tpu.memory_space<hbm>>)
    %dma_wait3A_435 = arith.constant 5 : i32
    %dma_wait3A_436 = arith.constant 0 : i32
    %dma_wait3A_437 = arith.constant 0 : i32
    %dma_wait3A_438 = tpu.memref_slice %arg6[%dma_wait3A_435, %dma_wait3A_436, %dma_wait3A_437] : memref<8x50x128xf32, #tpu.memory_space<vmem>> -> memref<1x50x128xf32, #tpu.memory_space<vmem>>
    %dma_wait3A_439 = tpu.memref_squeeze %dma_wait3A_438 : memref<1x50x128xf32, #tpu.memory_space<vmem>> -> memref<50x128xf32, #tpu.memory_space<vmem>>
    %dma_wait3A_440 = arith.constant 0 : i32
    %dma_wait3A_441 = arith.constant 0 : i32
    %dma_wait3A_442 = tpu.memref_slice %arg4[%add3A_270, %dma_wait3A_440, %dma_wait3A_441] : memref<4096x50x128xf32, #tpu.memory_space<hbm>> -> memref<1x50x128xf32, #tpu.memory_space<hbm>>
    %dma_wait3A_443 = tpu.memref_squeeze %dma_wait3A_442 : memref<1x50x128xf32, #tpu.memory_space<hbm>> -> memref<50x128xf32, #tpu.memory_space<hbm>>
    %dma_wait3A_444 = arith.constant 0 : i32
    %dma_wait3A_445 = arith.constant 0 : i32
    %dma_wait3A_446 = tpu.memref_slice %arg4[%add3A_270, %dma_wait3A_444, %dma_wait3A_445] : memref<4096x50x128xf32, #tpu.memory_space<hbm>> -> memref<1x50x128xf32, #tpu.memory_space<hbm>>
    %dma_wait3A_447 = tpu.memref_squeeze %dma_wait3A_446 : memref<1x50x128xf32, #tpu.memory_space<hbm>> -> memref<50x128xf32, #tpu.memory_space<hbm>>
    %dma_wait3A_448 = arith.constant 0 : i32
    %dma_wait3A_449 = arith.constant 0 : i32
    %dma_wait3A_450 = tpu.memref_slice %arg6[%dma_wait3A_435, %dma_wait3A_448, %dma_wait3A_449] : memref<8x50x128xf32, #tpu.memory_space<vmem>> -> memref<1x50x128xf32, #tpu.memory_space<vmem>>
    %dma_wait3A_451 = tpu.memref_squeeze %dma_wait3A_450 : memref<1x50x128xf32, #tpu.memory_space<vmem>> -> memref<50x128xf32, #tpu.memory_space<vmem>>
    tpu.wait_dma2 semaphore(%arg20 : memref<!tpu.dma_semaphore, #tpu.memory_space<semaphore_mem>>) src(%dma_wait3A_451 : memref<50x128xf32, #tpu.memory_space<vmem>>) dst(%dma_wait3A_447 : memref<50x128xf32, #tpu.memory_space<hbm>>)
    %dma_wait3A_452 = arith.constant 6 : i32
    %dma_wait3A_453 = arith.constant 0 : i32
    %dma_wait3A_454 = arith.constant 0 : i32
    %dma_wait3A_455 = tpu.memref_slice %arg6[%dma_wait3A_452, %dma_wait3A_453, %dma_wait3A_454] : memref<8x50x128xf32, #tpu.memory_space<vmem>> -> memref<1x50x128xf32, #tpu.memory_space<vmem>>
    %dma_wait3A_456 = tpu.memref_squeeze %dma_wait3A_455 : memref<1x50x128xf32, #tpu.memory_space<vmem>> -> memref<50x128xf32, #tpu.memory_space<vmem>>
    %dma_wait3A_457 = arith.constant 0 : i32
    %dma_wait3A_458 = arith.constant 0 : i32
    %dma_wait3A_459 = tpu.memref_slice %arg4[%add3A_301, %dma_wait3A_457, %dma_wait3A_458] : memref<4096x50x128xf32, #tpu.memory_space<hbm>> -> memref<1x50x128xf32, #tpu.memory_space<hbm>>
    %dma_wait3A_460 = tpu.memref_squeeze %dma_wait3A_459 : memref<1x50x128xf32, #tpu.memory_space<hbm>> -> memref<50x128xf32, #tpu.memory_space<hbm>>
    %dma_wait3A_461 = arith.constant 0 : i32
    %dma_wait3A_462 = arith.constant 0 : i32
    %dma_wait3A_463 = tpu.memref_slice %arg4[%add3A_301, %dma_wait3A_461, %dma_wait3A_462] : memref<4096x50x128xf32, #tpu.memory_space<hbm>> -> memref<1x50x128xf32, #tpu.memory_space<hbm>>
    %dma_wait3A_464 = tpu.memref_squeeze %dma_wait3A_463 : memref<1x50x128xf32, #tpu.memory_space<hbm>> -> memref<50x128xf32, #tpu.memory_space<hbm>>
    %dma_wait3A_465 = arith.constant 0 : i32
    %dma_wait3A_466 = arith.constant 0 : i32
    %dma_wait3A_467 = tpu.memref_slice %arg6[%dma_wait3A_452, %dma_wait3A_465, %dma_wait3A_466] : memref<8x50x128xf32, #tpu.memory_space<vmem>> -> memref<1x50x128xf32, #tpu.memory_space<vmem>>
    %dma_wait3A_468 = tpu.memref_squeeze %dma_wait3A_467 : memref<1x50x128xf32, #tpu.memory_space<vmem>> -> memref<50x128xf32, #tpu.memory_space<vmem>>
    tpu.wait_dma2 semaphore(%arg21 : memref<!tpu.dma_semaphore, #tpu.memory_space<semaphore_mem>>) src(%dma_wait3A_468 : memref<50x128xf32, #tpu.memory_space<vmem>>) dst(%dma_wait3A_464 : memref<50x128xf32, #tpu.memory_space<hbm>>)
    %dma_wait3A_469 = arith.constant 7 : i32
    %dma_wait3A_470 = arith.constant 0 : i32
    %dma_wait3A_471 = arith.constant 0 : i32
    %dma_wait3A_472 = tpu.memref_slice %arg6[%dma_wait3A_469, %dma_wait3A_470, %dma_wait3A_471] : memref<8x50x128xf32, #tpu.memory_space<vmem>> -> memref<1x50x128xf32, #tpu.memory_space<vmem>>
    %dma_wait3A_473 = tpu.memref_squeeze %dma_wait3A_472 : memref<1x50x128xf32, #tpu.memory_space<vmem>> -> memref<50x128xf32, #tpu.memory_space<vmem>>
    %dma_wait3A_474 = arith.constant 0 : i32
    %dma_wait3A_475 = arith.constant 0 : i32
    %dma_wait3A_476 = tpu.memref_slice %arg4[%add3A_332, %dma_wait3A_474, %dma_wait3A_475] : memref<4096x50x128xf32, #tpu.memory_space<hbm>> -> memref<1x50x128xf32, #tpu.memory_space<hbm>>
    %dma_wait3A_477 = tpu.memref_squeeze %dma_wait3A_476 : memref<1x50x128xf32, #tpu.memory_space<hbm>> -> memref<50x128xf32, #tpu.memory_space<hbm>>
    %dma_wait3A_478 = arith.constant 0 : i32
    %dma_wait3A_479 = arith.constant 0 : i32
    %dma_wait3A_480 = tpu.memref_slice %arg4[%add3A_332, %dma_wait3A_478, %dma_wait3A_479] : memref<4096x50x128xf32, #tpu.memory_space<hbm>> -> memref<1x50x128xf32, #tpu.memory_space<hbm>>
    %dma_wait3A_481 = tpu.memref_squeeze %dma_wait3A_480 : memref<1x50x128xf32, #tpu.memory_space<hbm>> -> memref<50x128xf32, #tpu.memory_space<hbm>>
    %dma_wait3A_482 = arith.constant 0 : i32
    %dma_wait3A_483 = arith.constant 0 : i32
    %dma_wait3A_484 = tpu.memref_slice %arg6[%dma_wait3A_469, %dma_wait3A_482, %dma_wait3A_483] : memref<8x50x128xf32, #tpu.memory_space<vmem>> -> memref<1x50x128xf32, #tpu.memory_space<vmem>>
    %dma_wait3A_485 = tpu.memref_squeeze %dma_wait3A_484 : memref<1x50x128xf32, #tpu.memory_space<vmem>> -> memref<50x128xf32, #tpu.memory_space<vmem>>
    tpu.wait_dma2 semaphore(%arg22 : memref<!tpu.dma_semaphore, #tpu.memory_space<semaphore_mem>>) src(%dma_wait3A_485 : memref<50x128xf32, #tpu.memory_space<vmem>>) dst(%dma_wait3A_481 : memref<50x128xf32, #tpu.memory_space<hbm>>)
    return
  }
}

</mosaic_0001>

<sc_bundles>
// kernel: kernel.3.cloned.1.call-start
scs
__scs_entry_jumppad:
0x0: {  	(pc) =	sbr.rel $0x88, $3  }
0x1: {  	(tag) =	ssettag $0x0;
	lr =	simm.s32 $0x1  }
0x2: {  	[smem:$0x3F9F] =	sst lr;
	_ =	strace $0xD0000000  }
0x3: {  	_ = 	snop  }
0x4: {  	_ = 	snop  }
0x5: {  	_ = 	snop  }
0x6: {  	_ = 	snop  }
0x7: {  	_ = 	snop  }
__scs_overlays_trampoline_lowered:
0x8: {  	[smem:$0x3FAE] =	sst s0  }
0x9: {  	[smem:$0x3FAF] =	sst s1  }
0xa: {  	[smem:$0x3FB0] =	sst s2  }
0xb: {  	[smem:$0x3FB1] =	sst s3  }
0xc: {  	[smem:$0x3FB2] =	sst s4  }
0xd: {  	[smem:$0x3FB3] =	sst s5  }
0xe: {  	[smem:$0x3FB4] =	sst s6  }
0xf: {  	[smem:$0x3FB5] =	sst s7  }
0x10: {  	[smem:$0x3FB6] =	sst s8  }
0x11: {  	[smem:$0x3FB7] =	sst s9;
	s0 =	simm.s32 @!p0 $0x0  }
0x12: {  	s1 =	sld [smem:$0x3F9D];
	s0 =	simm.s32 @p0 $0x1  }
0x13: {  	[smem:$0x3FB8] =	sst s0;
	s0 =	simm.s32 @!p1 $0x0  }
0x14: {  	s2 =	sld [smem:$0x3F9C];
	s0 =	simm.s32 @p1 $0x1  }
0x15: {  	[smem:$0x3FB9] =	sst s0;
	s0 =	simm.s32 @!p2 $0x0  }
0x16: {  	s3 =	sld [smem:$0x3FDB];
	s0 =	simm.s32 @p2 $0x1  }
0x17: {  	s4 =	simm.s32 $0x1BF5;
	[smem:$0x3FBB] =	sst s0  }
0x18: {  	s0 =	sld [smem:$0x3F9E];
	_ =	swait.ge [sflag:s4], $0x0  }
0x19: {  	s7 =	sld [smem:$0x3F9F]  }
0x1a: {  	s8 =	sadd.s32 $0xFFFFE003, lr  }
0x1b: {  	s9 =	sadd.s32 $0xFFFFFEF7, lr;
	s5 =	simm.s32 $0xFFFFFFFF;
	p2 =	slt.u32 s8, $0xFFFFF086  }
0x1c: {  	p1 =	slt.u32 s9, $0xF7A;
	s5 =	simm.s32 @!p2 $0x0  }
0x1d: {  	s5 =	simm.s32 @p1 $0x1;
	p0 =	seq.s32 s7, s2  }
0x1e: {  	s7 =	smul.u32 @!p0 $0xF7A, s2;
	p2 =	seq.s32 @!p0 s5, $0x0  }
0x1f: {  	s9 =	smul.u32 $0xF7A, s1;
	s8 =	simm.s32 @!p0 $0x1BF5;
	p2 =	por !p2, p0  }
0x20: {  	[sflag:s8] =	ssyncset.s32 @!p0 $0xFFFFF086;
	s6 =	sadd.s32 @!p0 s3, s7;
	s7 =	simm.s32 @!p0 $0x108  }
0x21: {  	s3 =	sadd.s32 s3, s9;
	s6 =	sadd.s32 @!p0 $0x88, s6;
	s7 =	simm.s32 @p2 $0x1082  }
0x22: {  	[simem:s7], [sflag:s8] =	dma.local @!p0 [hbm:s6], $0xF7A  }
0x23: {  	s9 =	sor.u32 $0xD0000000, s2;
	s6 =	simm.s32 $0x108;
	_ =	swait.ge @!p0 [sflag:s8], $0x0  }
0x24: {  	s3 =	sadd.s32 $0x88, s3;
	s6 =	simm.s32 @!p1 $0x1082;
	[sflag:s4] =	ssyncset.s32 $0xFFFFF086  }
0x25: {  	[simem:s6], [sflag:s4] =	dma.local [hbm:s3], $0xF7A  }
0x26: {  	[smem:$0x3F9F] =	sst s1;
	(tag) =	ssettag s2;
	_ =	strace s9  }
0x27: {  	s1 =	sld [smem:$0x3FAF]  }
0x28: {  	s2 =	sld [smem:$0x3FB0]  }
0x29: {  	s4 =	sld [smem:$0x3FB2]  }
0x2a: {  	p0 =	seq.s32 s5, $0x0;
	s5 =	sld [smem:$0x3FB3]  }
0x2b: {  	s6 =	sld [smem:$0x3FB4]  }
0x2c: {  	s7 =	sld [smem:$0x3FB5]  }
0x2d: {  	s3 =	simm.s32 $0x108;
	s8 =	sld [smem:$0x3FB6]  }
0x2e: {  	s3 =	simm.s32 @!p0 $0x1082;
	s9 =	sld [smem:$0x3FB7]  }
0x2f: {  	lr =	sadd.s32 s0, s3;
	s0 =	sld [smem:$0x3FAE]  }
0x30: {  	s3 =	sld [smem:$0x3FB1]  }
0x31: {  	[smem:$0x3FBA] =	sst s10  }
0x32: {  	s10 =	sld [smem:$0x3FB8];
	_ =	sdelay $0x3  }
0x33: {  	p0 =	seq.s32 s10, $0x1;
	s10 =	sld [smem:$0x3FBA];
	_ =	sdelay $0x3  }
0x34: {  	[smem:$0x3FBA] =	sst s10  }
0x35: {  	s10 =	sld [smem:$0x3FB9];
	_ =	sdelay $0x3  }
0x36: {  	p1 =	seq.s32 s10, $0x1;
	s10 =	sld [smem:$0x3FBA];
	_ =	sdelay $0x3  }
0x37: {  	[smem:$0x3FBA] =	sst s10  }
0x38: {  	s10 =	sld [smem:$0x3FBB]  }
0x39: {  	_ = 	snop;
	(pc) =	sbr.ind lr, $3  }
0x3a: {  	_ = 	snop  }
0x3b: {  	_ = 	snop  }
0x3c: {  	p2 =	seq.s32 s10, $0x1;
	s10 =	sld [smem:$0x3FBA]  }
0x3d: {  	_ =	shalt  }
0x3e: {  	_ =	shalt  }
0x3f: {  	_ =	shalt  }
0x40: {  	_ =	shalt  }
0x41: {  	_ =	shalt  }
0x42: {  	_ =	shalt  }
0x43: {  	_ =	shalt  }
0x44: {  	_ =	shalt  }
0x45: {  	_ =	shalt  }
0x46: {  	_ =	shalt  }
0x47: {  	_ =	shalt  }
0x48: {  	_ =	shalt  }
0x49: {  	_ =	shalt  }
0x4a: {  	_ =	shalt  }
0x4b: {  	_ =	shalt  }
0x4c: {  	_ =	shalt  }
0x4d: {  	_ =	shalt  }
0x4e: {  	_ =	shalt  }
0x4f: {  	_ =	shalt  }
0x50: {  	_ =	shalt  }
0x51: {  	_ =	shalt  }
0x52: {  	_ =	shalt  }
0x53: {  	_ =	shalt  }
0x54: {  	_ =	shalt  }
0x55: {  	_ =	shalt  }
0x56: {  	_ =	shalt  }
0x57: {  	_ =	shalt  }
0x58: {  	_ =	shalt  }
0x59: {  	_ =	shalt  }
0x5a: {  	_ =	shalt  }
0x5b: {  	_ =	shalt  }
0x5c: {  	_ =	shalt  }
0x5d: {  	_ =	shalt  }
0x5e: {  	_ =	shalt  }
0x5f: {  	_ =	shalt  }
0x60: {  	_ =	shalt  }
0x61: {  	_ =	shalt  }
0x62: {  	_ =	shalt  }
0x63: {  	_ =	shalt  }
0x64: {  	_ =	shalt  }
0x65: {  	_ =	shalt  }
0x66: {  	_ =	shalt  }
0x67: {  	_ =	shalt  }
0x68: {  	_ =	shalt  }
0x69: {  	_ =	shalt  }
0x6a: {  	_ =	shalt  }
0x6b: {  	_ =	shalt  }
0x6c: {  	_ =	shalt  }
0x6d: {  	_ =	shalt  }
0x6e: {  	_ =	shalt  }
0x6f: {  	_ =	shalt  }
0x70: {  	_ =	shalt  }
0x71: {  	_ =	shalt  }
0x72: {  	_ =	shalt  }
0x73: {  	_ =	shalt  }
0x74: {  	_ =	shalt  }
0x75: {  	_ =	shalt  }
0x76: {  	_ =	shalt  }
0x77: {  	_ =	shalt  }
0x78: {  	_ =	shalt  }
0x79: {  	_ =	shalt  }
0x7a: {  	_ =	shalt  }
0x7b: {  	_ =	shalt  }
0x7c: {  	_ =	shalt  }
0x7d: {  	_ =	shalt  }
0x7e: {  	_ =	shalt  }
0x7f: {  	_ =	shalt  }
0x80: {  	_ =	shalt  }
0x81: {  	_ =	shalt  }
0x82: {  	_ =	shalt  }
0x83: {  	_ =	shalt  }
0x84: {  	_ =	shalt  }
0x85: {  	_ =	shalt  }
0x86: {  	_ =	shalt  }
0x87: {  	_ =	shalt  }
.Lfunc_end0:
.L_simem_size_0:
called_computation.1_lowered:
.L_overlay_start_0:
0x88: {  	s2 =	sld [smem:$0x3FD9]  }
0x89: {  	s3 =	sld [smem:$0x3FFE];
	_ =	sdelay $0x1  }
0x8a: {  	s1 =	srdreg.scid  }
0x8b: {  	s0 =	sand.u32 $0x1, s1  }
0x8c: {  	s16 =	sshll.u32 s0, $0xA;
	s2 =	sadd.s32 s3, s2  }
0x8d: {  	s2 =	sadd.s32 s2, s16  }
0x8e: {  	[smem:$0x3FC6] =	sst s2  }
0x8f: {  	_ = 	snop  }
0x90: {  	(tm) =	ssettm $0x1  }
0x91: {  	s17 =	sld [smem:$0x3FFB];
	_ =	sdelay $0x3  }
0x92: {  	_ =	strace s17  }
0x93: {  	s2 =	sld [smem:$0x3FFC];
	_ =	sdelay $0x3  }
0x94: {  	_ =	strace s2  }
0x95: {  	s2 =	sld [smem:$0x3FFD];
	_ =	sdelay $0x3  }
0x96: {  	_ =	strace s2  }
0x97: {  	_ =	strace $0x8FFFFFFF  }
0x98: {  	s18 =	sld [smem:$0x3FDB];
	_ =	sdelay $0x1  }
0x99: {  	s19 =	simm.s32 $_scs_section_size  }
0x9a: {  	s4 =	simm.s32 $_size__tile_overlayer_lowered;
	s5 =	simm.s32 $_tile_overlayer_lowered  }
0x9b: {  	s22 =	simm.s32 $0x1BFF;
	s21 =	sshll.u32 s5, $0x1;
	s2 =	sadd.s32 s19, s18  }
0x9c: {  	s6 =	simm.s32 $0x0;
	s20 =	sshll.u32 s4, $0x1;
	s4 =	sadd.s32 s21, s2  }
0x9d: {  	[timem:s6], [sflag:s22] =	dma.local [hbm:s4], s20  }
0x9e: {  	_ =	swait.ge [sflag:s22], s20  }
0x9f: {  	s3 =	ssub.s32 $0x0, s20;
	[sflag:s22] =	ssyncset.done $0x0  }
0xa0: {  	[sflag:s22] =	ssyncadd.s32 s3;
	_ =	sdelay $0x1  }
0xa1: {  	s23 =	simm.s32 $0x1B8B  }
0xa2: {  	_ =	swait.ge [sflag:s23], $0x1  }
0xa3: {  	[sflag:s23] =	ssyncset.done $0x0  }
0xa4: {  	s25 =	simm.s32 $0x1B8E;
	s24 =	sld [smem:$0x3FFE];
	[sflag:s23] =	ssyncadd.s32 $0xFFFFFFFF  }
0xa5: {  	s26 =	simm.s32 $execute0_lowered;
	[smem:$0x3FD2] =	sst s25  }
0xa6: {  	s4 =	sshll.u32 s26, $0x1;
	_ =	strace $0x80000046;
	[dreg:$0x1] =	wrdreg $0xFFFFFFFF  }
0xa7: {  	s28 =	simm.s32 $_size_execute0_lowered;
	s2 =	sadd.s32 s2, s4;
	[dreg:$0x0] =	wrdreg $0x0  }
0xa8: {  	s4 =	sshll.u32 s28, $0x1;
	[dreg:$0x2] =	wrdreg s2  }
0xa9: {  	[dreg:$0x3] =	wrdreg s4  }
0xaa: {  	[dreg:$0x4] =	wrdreg $0xC0  }
0xab: {  	_ =	task [dreg:s6], $0x5FFFF  }
0xac: {  	[dreg:$0x1] =	wrdreg $0xFFFFFFFF  }
0xad: {  	[dreg:$0x0] =	wrdreg $0x60  }
0xae: {  	[dreg:$0x2] =	wrdreg s24  }
0xaf: {  	[dreg:$0x3] =	wrdreg $0x9  }
0xb0: {  	_ =	task.clear_ibuf [dreg:s6], $0x4FFFF;
	_ =	strace $0x90000046  }
0xb1: {  	s29 =	simm.s32 $0x9;
	_ =	strace $0x80000048  }
0xb2: {  	_ =	swait.ge [sflag:s29], $0x1  }
0xb3: {  	[sflag:s29] =	ssyncadd.s32 $0xFFFFFFFF  }
0xb4: {  	_ =	strace $0x90000048  }
0xb5: {  	_ =	sfence  }
0xb6: {  	s30 =	sld [smem:$0x0];
	_ =	sdelay $0x2  }
0xb7: {  	s31 =	sshll.u32 s1, $0xD;
	s1 =	sshrl.u32 s1, $0x2  }
0xb8: {  	s3 =	sand.u32 $0x4000, s31;
	s1 =	sadd.s32 s1, s30  }
0xb9: {  	s0 =	sor.u32 s3, s0;
	s1 =	sshll.u32 s1, $0x11  }
0xba: {  	s0 =	sor.u32 s1, s0  }
0xbb: {  	s0 =	sadd.s32 $0x8F2B, s0  }
0xbc: {  	[sflag:s0] =	ssyncadd.remote.s32 $0x1  }
0xbd: {  	_ =	sfence.sel $0xFFFF  }
0xbe: {  	[dreg:$0x0] =	wrdreg $0xFFFFFFFF;
	(pc) =	sbr.abs _section_cstart, $3  }
0xbf: {  	[dreg:$0x1] =	wrdreg $0xFFFFFFFF  }
0xc0: {  	_ =	task.clear_ibuf [dreg:s6], $0x2FFFF;
	_ =	strace $0x9FFFFFFF  }
0xc1: {  	(tm) =	ssettm $0x7FFFFFFF  }
tec
execute0_lowered:
.L_overlay_start_1:
0x0: {  	(tag) =	ssettag $0x1  }
0x1: {  	s0 =	rddreg [dreg:$0x0];
	s1 =	srdreg.scid  }
0x2: {  	s9 =	stileid.u32;
	s2 =	simm.s32 $0x0;
	s16 =	simm.s32 $0x32  }
0x3: {  	s17 =	simm.s32 $0x4000;
	s28 =	simm.s32 $0xCC00;
	s30 =	simm.s32 $0xE800  }
0x4: {  	s29 =	simm.s32 $0x7;
	s31 =	simm.s32 $0x8;
	s10 =	simm.s32 $0xF  }
0x5: {  	s11 =	simm.s32 $0x10;
	s13 =	simm.s32 $0x0;
	s1 =	sand.u32 $0x1, s1  }
0x6: {  	s3 =	sshll.u32 s9, $0x8;
	[smem:$0x7FF] =	sst s2;
	s4 =	sshll.u32 s1, $0x7  }
0x7: {  	s7 =	sadd.s32 $0x197200, s0;
	s6 =	ssub.s32 $0x2, s1;
	s4 =	sor.u32 s4, s3  }
0x8: {  	_ =	strace $0x80000047;
	s8 =	sshrl.u32 s6, $0x1;
	s5 =	smul.u32 $0x1C00, s4  }
0x9: {  	s3 =	sadd.s32 $0x10800, s0;
	s4 =	sshll.u32 s4, $0x4;
	s18 =	ssub.s32 s6, s8  }
0xa: {  	s0 =	sadd.s32 s4, s0;
	s4 =	smax.u32 s18, $0x1;
	s5 =	sshrl.u32 s5, $0x3  }
0xb: {  	s0 =	sadd.s32 $0x800, s0;
	[dreg:$0xb] =	wrdreg s4;
	s5 =	sadd.s32 s7, s5  }
0xc: {  	s23 =	smul.u32 $0x38000, s9;
	[dreg:$0x2] =	wrdreg s0;
	s19 =	sadd.s32 $0x1A400, s5  }
0xd: {  	s9 =	simm.s32 $0xE;
	s20 =	sadd.s32 $0x1A780, s5;
	[dreg:$0x3] =	wrdreg s19  }
0xe: {  	s1 =	smul.u32 $0x1C000, s1;
	s21 =	sadd.s32 $0x1AB00, s5;
	[dreg:$0x4] =	wrdreg s20  }
0xf: {  	s6 =	simm.s32 $0xB;
	s22 =	sadd.s32 $0x1AE80, s5;
	[dreg:$0x5] =	wrdreg s21  }
0x10: {  	s8 =	simm.s32 $0xD;
	s24 =	sadd.s32 $0x1B200, s5;
	[dreg:$0x6] =	wrdreg s22  }
0x11: {  	s18 =	simm.s32 $0x2;
	s25 =	sadd.s32 $0x1B580, s5;
	[dreg:$0x7] =	wrdreg s24  }
0x12: {  	s4 =	simm.s32 $0x9;
	s26 =	sadd.s32 $0x1B900, s5;
	[dreg:$0x8] =	wrdreg s25  }
0x13: {  	s0 =	sadd.s32 s23, s7;
	s5 =	sadd.s32 $0x1BC80, s5;
	[dreg:$0x9] =	wrdreg s26  }
0x14: {  	s23 =	simm.s32 $0x9400;
	s0 =	sadd.s32 s1, s0;
	[dreg:$0xa] =	wrdreg s5  }
0x15: {  	s7 =	simm.s32 $0xC;
	s1 =	simm.s32 $0x1;
	[dreg:$0xc] =	wrdreg s0  }
0x16: {  	s19 =	simm.s32 $0x5C00;
	s21 =	simm.s32 $0x7800;
	s25 =	simm.s32 $0xB000  }
0x17: {  	s0 =	simm.s32 $0x10400;
	s20 =	simm.s32 $0x3;
	s22 =	simm.s32 $0x4  }
0x18: {  	s24 =	simm.s32 $0x5;
	s26 =	simm.s32 $0x6;
	s5 =	simm.s32 $0xA  }
.LBB2_1:
0x19: {  	[dreg:$0xd] =	wrdreg s13  }
0x1a: {  	s12 =	rddreg [dreg:$0x2];
	s14 =	simm.s32 $0x11  }
0x1b: {  	[tilespmem:s2], [sflag:$0x11] =	stream.linear.gather [hbm4b:s12+s2], $0x4000, $0x38;
	[tilespmem:$0x12000] =	vst v63  }
0x1c: {  	_ =	swait.ge [sflag:s14], $0x4000  }
0x1d: {  	[sflag:s14] =	ssyncset.done $0x0  }
0x1e: {  	[sflag:s14] =	ssyncadd.s32 $0xFFFFC000  }
0x1f: {  	[tilespmem:s17], [sflag:$0x1] =	stream.indirect.gather [hbm4b:s3+s16], $0x80, s2, s16, $0xb8;
	[tilespmem:$0x12000] =	vst v63  }
0x20: {  	s15 =	simm.s32 $0x80  }
0x21: {  	[tilespmem:s19], [sflag:$0x2] =	stream.indirect.gather [hbm4b:s3+s16], $0x80, s15, s16, $0xb8;
	[tilespmem:$0x12000] =	vst v63  }
0x22: {  	s13 =	simm.s32 $0x100  }
0x23: {  	[tilespmem:s21], [sflag:$0x3] =	stream.indirect.gather [hbm4b:s3+s16], $0x80, s13, s16, $0xb8;
	[tilespmem:$0x12000] =	vst v63  }
0x24: {  	s14 =	simm.s32 $0x180  }
0x25: {  	[tilespmem:s23], [sflag:$0x4] =	stream.indirect.gather [hbm4b:s3+s16], $0x80, s14, s16, $0xb8;
	[tilespmem:$0x12000] =	vst v63  }
0x26: {  	s15 =	simm.s32 $0x200  }
0x27: {  	[tilespmem:s25], [sflag:$0x5] =	stream.indirect.gather [hbm4b:s3+s16], $0x80, s15, s16, $0xb8;
	[tilespmem:$0x12000] =	vst v63  }
0x28: {  	s13 =	simm.s32 $0x280  }
0x29: {  	[tilespmem:s28], [sflag:$0x6] =	stream.indirect.gather [hbm4b:s3+s16], $0x80, s13, s16, $0xb8;
	[tilespmem:$0x12000] =	vst v63  }
0x2a: {  	s14 =	simm.s32 $0x300  }
0x2b: {  	[tilespmem:s30], [sflag:$0x7] =	stream.indirect.gather [hbm4b:s3+s16], $0x80, s14, s16, $0xb8;
	[tilespmem:$0x12000] =	vst v63  }
0x2c: {  	s15 =	simm.s32 $0x380  }
0x2d: {  	[tilespmem:s0], [sflag:$0x8] =	stream.indirect.gather [hbm4b:s3+s16], $0x80, s15, s16, $0xb8;
	[tilespmem:$0x12000] =	vst v63  }
0x2e: {  	_ =	swait.ge [sflag:s1], $0x1900  }
0x2f: {  	[sflag:s1] =	ssyncset.done $0x0  }
0x30: {  	s14 =	rddreg [dreg:$0xc];
	[sflag:s1] =	ssyncadd.s32 $0xFFFFE700  }
0x31: {  	[hbm4b:s14+s2] =	stream.linear.scatter [tilespmem:s17], [sflag:$0x9], $0x1900, $0x38;
	[tilespmem:$0x12000] =	vst v63  }
0x32: {  	_ =	swait.ge [sflag:s18], $0x1900  }
0x33: {  	[sflag:s18] =	ssyncset.done $0x0  }
0x34: {  	s13 =	sadd.s32 $0x380, s14;
	[sflag:s18] =	ssyncadd.s32 $0xFFFFE700  }
0x35: {  	[hbm4b:s13+s2] =	stream.linear.scatter [tilespmem:s19], [sflag:$0xA], $0x1900, $0x38;
	[tilespmem:$0x12000] =	vst v63  }
0x36: {  	_ =	swait.ge [sflag:s20], $0x1900  }
0x37: {  	[sflag:s20] =	ssyncset.done $0x0  }
0x38: {  	s15 =	sadd.s32 $0x700, s14;
	[sflag:s20] =	ssyncadd.s32 $0xFFFFE700  }
0x39: {  	[hbm4b:s15+s2] =	stream.linear.scatter [tilespmem:s21], [sflag:$0xB], $0x1900, $0x38;
	[tilespmem:$0x12000] =	vst v63  }
0x3a: {  	_ =	swait.ge [sflag:s22], $0x1900  }
0x3b: {  	[sflag:s22] =	ssyncset.done $0x0  }
0x3c: {  	s13 =	sadd.s32 $0xA80, s14;
	[sflag:s22] =	ssyncadd.s32 $0xFFFFE700  }
0x3d: {  	[hbm4b:s13+s2] =	stream.linear.scatter [tilespmem:s23], [sflag:$0xC], $0x1900, $0x38;
	[tilespmem:$0x12000] =	vst v63  }
0x3e: {  	_ =	swait.ge [sflag:s24], $0x1900  }
0x3f: {  	[sflag:s24] =	ssyncset.done $0x0  }
0x40: {  	s15 =	sadd.s32 $0xE00, s14;
	[sflag:s24] =	ssyncadd.s32 $0xFFFFE700  }
0x41: {  	[hbm4b:s15+s2] =	stream.linear.scatter [tilespmem:s25], [sflag:$0xD], $0x1900, $0x38;
	[tilespmem:$0x12000] =	vst v63  }
0x42: {  	_ =	swait.ge [sflag:s26], $0x1900  }
0x43: {  	[sflag:s26] =	ssyncset.done $0x0  }
0x44: {  	s13 =	sadd.s32 $0x1180, s14;
	[sflag:s26] =	ssyncadd.s32 $0xFFFFE700  }
0x45: {  	[hbm4b:s13+s2] =	stream.linear.scatter [tilespmem:s28], [sflag:$0xE], $0x1900, $0x38;
	[tilespmem:$0x12000] =	vst v63  }
0x46: {  	_ =	swait.ge [sflag:s29], $0x1900  }
0x47: {  	[sflag:s29] =	ssyncset.done $0x0  }
0x48: {  	s15 =	sadd.s32 $0x1500, s14;
	[sflag:s29] =	ssyncadd.s32 $0xFFFFE700  }
0x49: {  	[hbm4b:s15+s2] =	stream.linear.scatter [tilespmem:s30], [sflag:$0xF], $0x1900, $0x38;
	[tilespmem:$0x12000] =	vst v63  }
0x4a: {  	_ =	swait.ge [sflag:s31], $0x1900  }
0x4b: {  	[sflag:s31] =	ssyncset.done $0x0  }
0x4c: {  	s13 =	sadd.s32 $0x1880, s14;
	[sflag:s31] =	ssyncadd.s32 $0xFFFFE700  }
0x4d: {  	[hbm4b:s13+s2] =	stream.linear.scatter [tilespmem:s0], [sflag:$0x10], $0x1900, $0x38;
	[tilespmem:$0x12000] =	vst v63  }
0x4e: {  	_ =	swait.ge [sflag:s4], $0x1900  }
0x4f: {  	[sflag:s4] =	ssyncset.done $0x0  }
0x50: {  	s15 =	simm.s32 $0x400;
	[sflag:s4] =	ssyncadd.s32 $0xFFFFE700  }
0x51: {  	[tilespmem:s17], [sflag:$0x1] =	stream.indirect.gather [hbm4b:s3+s16], $0x80, s15, s16, $0xb8;
	[tilespmem:$0x12000] =	vst v63  }
0x52: {  	_ =	swait.ge [sflag:s5], $0x1900  }
0x53: {  	[sflag:s5] =	ssyncset.done $0x0  }
0x54: {  	s13 =	simm.s32 $0x480;
	[sflag:s5] =	ssyncadd.s32 $0xFFFFE700  }
0x55: {  	[tilespmem:s19], [sflag:$0x2] =	stream.indirect.gather [hbm4b:s3+s16], $0x80, s13, s16, $0xb8;
	[tilespmem:$0x12000] =	vst v63  }
0x56: {  	_ =	swait.ge [sflag:s6], $0x1900  }
0x57: {  	[sflag:s6] =	ssyncset.done $0x0  }
0x58: {  	s15 =	simm.s32 $0x500;
	[sflag:s6] =	ssyncadd.s32 $0xFFFFE700  }
0x59: {  	[tilespmem:s21], [sflag:$0x3] =	stream.indirect.gather [hbm4b:s3+s16], $0x80, s15, s16, $0xb8;
	[tilespmem:$0x12000] =	vst v63  }
0x5a: {  	_ =	swait.ge [sflag:s7], $0x1900  }
0x5b: {  	[sflag:s7] =	ssyncset.done $0x0  }
0x5c: {  	s13 =	simm.s32 $0x580;
	[sflag:s7] =	ssyncadd.s32 $0xFFFFE700  }
0x5d: {  	[tilespmem:s23], [sflag:$0x4] =	stream.indirect.gather [hbm4b:s3+s16], $0x80, s13, s16, $0xb8;
	[tilespmem:$0x12000] =	vst v63  }
0x5e: {  	_ =	swait.ge [sflag:s8], $0x1900  }
0x5f: {  	[sflag:s8] =	ssyncset.done $0x0  }
0x60: {  	s15 =	simm.s32 $0x600;
	[sflag:s8] =	ssyncadd.s32 $0xFFFFE700  }
0x61: {  	[tilespmem:s25], [sflag:$0x5] =	stream.indirect.gather [hbm4b:s3+s16], $0x80, s15, s16, $0xb8;
	[tilespmem:$0x12000] =	vst v63  }
0x62: {  	_ =	swait.ge [sflag:s9], $0x1900  }
0x63: {  	[sflag:s9] =	ssyncset.done $0x0  }
0x64: {  	s13 =	simm.s32 $0x680;
	[sflag:s9] =	ssyncadd.s32 $0xFFFFE700  }
0x65: {  	[tilespmem:s28], [sflag:$0x6] =	stream.indirect.gather [hbm4b:s3+s16], $0x80, s13, s16, $0xb8;
	[tilespmem:$0x12000] =	vst v63  }
0x66: {  	_ =	swait.ge [sflag:s10], $0x1900  }
0x67: {  	[sflag:s10] =	ssyncset.done $0x0  }
0x68: {  	s15 =	simm.s32 $0x700;
	[sflag:s10] =	ssyncadd.s32 $0xFFFFE700  }
0x69: {  	[tilespmem:s30], [sflag:$0x7] =	stream.indirect.gather [hbm4b:s3+s16], $0x80, s15, s16, $0xb8;
	[tilespmem:$0x12000] =	vst v63  }
0x6a: {  	_ =	swait.ge [sflag:s11], $0x1900  }
0x6b: {  	s12 =	simm.s32 $0x780;
	[sflag:s11] =	ssyncset.done $0x0  }
0x6c: {  	s13 =	simm.s32 $0x1000;
	s15 =	sadd.s32 $0x1C00, s14;
	[sflag:s11] =	ssyncadd.s32 $0xFFFFE700  }
.LBB2_2:
0x6d: {  	[tilespmem:s0], [sflag:$0x8] =	stream.indirect.gather [hbm4b:s3+s16], $0x80, s12, s16, $0xb8;
	[tilespmem:$0x12000] =	vst v63  }
0x6e: {  	s12 =	smov.u32 s13  }
0x6f: {  	p0 =	sne.s32 s13, $0xE000;
	s13 =	sadd.s32 $0x1000, s13;
	_ =	swait.ge [sflag:s1], $0x1900  }
0x70: {  	[sflag:s1] =	ssyncset.done $0x0  }
0x71: {  	[sflag:s1] =	ssyncadd.s32 $0xFFFFE700  }
0x72: {  	[hbm4b:s15+s2] =	stream.linear.scatter [tilespmem:s17], [sflag:$0x9], $0x1900, $0x38;
	[tilespmem:$0x12000] =	vst v63  }
0x73: {  	_ =	swait.ge [sflag:s18], $0x1900  }
0x74: {  	[sflag:s18] =	ssyncset.done $0x0  }
0x75: {  	s14 =	sadd.s32 $0x380, s15;
	[sflag:s18] =	ssyncadd.s32 $0xFFFFE700  }
0x76: {  	[hbm4b:s14+s2] =	stream.linear.scatter [tilespmem:s19], [sflag:$0xA], $0x1900, $0x38;
	[tilespmem:$0x12000] =	vst v63  }
0x77: {  	_ =	swait.ge [sflag:s20], $0x1900  }
0x78: {  	[sflag:s20] =	ssyncset.done $0x0  }
0x79: {  	s14 =	sadd.s32 $0x700, s15;
	[sflag:s20] =	ssyncadd.s32 $0xFFFFE700  }
0x7a: {  	[hbm4b:s14+s2] =	stream.linear.scatter [tilespmem:s21], [sflag:$0xB], $0x1900, $0x38;
	[tilespmem:$0x12000] =	vst v63  }
0x7b: {  	_ =	swait.ge [sflag:s22], $0x1900  }
0x7c: {  	[sflag:s22] =	ssyncset.done $0x0  }
0x7d: {  	s14 =	sadd.s32 $0xA80, s15;
	[sflag:s22] =	ssyncadd.s32 $0xFFFFE700  }
0x7e: {  	[hbm4b:s14+s2] =	stream.linear.scatter [tilespmem:s23], [sflag:$0xC], $0x1900, $0x38;
	[tilespmem:$0x12000] =	vst v63  }
0x7f: {  	_ =	swait.ge [sflag:s24], $0x1900  }
0x80: {  	[sflag:s24] =	ssyncset.done $0x0  }
0x81: {  	s14 =	sadd.s32 $0xE00, s15;
	[sflag:s24] =	ssyncadd.s32 $0xFFFFE700  }
0x82: {  	[hbm4b:s14+s2] =	stream.linear.scatter [tilespmem:s25], [sflag:$0xD], $0x1900, $0x38;
	[tilespmem:$0x12000] =	vst v63  }
0x83: {  	_ =	swait.ge [sflag:s26], $0x1900  }
0x84: {  	[sflag:s26] =	ssyncset.done $0x0  }
0x85: {  	s14 =	sadd.s32 $0x1180, s15;
	[sflag:s26] =	ssyncadd.s32 $0xFFFFE700  }
0x86: {  	[hbm4b:s14+s2] =	stream.linear.scatter [tilespmem:s28], [sflag:$0xE], $0x1900, $0x38;
	[tilespmem:$0x12000] =	vst v63  }
0x87: {  	_ =	swait.ge [sflag:s29], $0x1900  }
0x88: {  	[sflag:s29] =	ssyncset.done $0x0  }
0x89: {  	s14 =	sadd.s32 $0x1500, s15;
	[sflag:s29] =	ssyncadd.s32 $0xFFFFE700  }
0x8a: {  	[hbm4b:s14+s2] =	stream.linear.scatter [tilespmem:s30], [sflag:$0xF], $0x1900, $0x38;
	[tilespmem:$0x12000] =	vst v63  }
0x8b: {  	_ =	swait.ge [sflag:s31], $0x1900  }
0x8c: {  	[sflag:s31] =	ssyncset.done $0x0  }
0x8d: {  	s14 =	sadd.s32 $0x1880, s15;
	[sflag:s31] =	ssyncadd.s32 $0xFFFFE700  }
0x8e: {  	[hbm4b:s14+s2] =	stream.linear.scatter [tilespmem:s0], [sflag:$0x10], $0x1900, $0x38;
	[tilespmem:$0x12000] =	vst v63  }
0x8f: {  	_ =	swait.ge [sflag:s4], $0x1900  }
0x90: {  	s12 =	sshra.s32 s12, $0x2;
	[sflag:s4] =	ssyncset.done $0x0  }
0x91: {  	s14 =	sadd.s32 $0x400, s12;
	[sflag:s4] =	ssyncadd.s32 $0xFFFFE700  }
0x92: {  	[tilespmem:s17], [sflag:$0x1] =	stream.indirect.gather [hbm4b:s3+s16], $0x80, s14, s16, $0xb8;
	[tilespmem:$0x12000] =	vst v63  }
0x93: {  	_ =	swait.ge [sflag:s5], $0x1900  }
0x94: {  	[sflag:s5] =	ssyncset.done $0x0  }
0x95: {  	s14 =	sadd.s32 $0x480, s12;
	[sflag:s5] =	ssyncadd.s32 $0xFFFFE700  }
0x96: {  	[tilespmem:s19], [sflag:$0x2] =	stream.indirect.gather [hbm4b:s3+s16], $0x80, s14, s16, $0xb8;
	[tilespmem:$0x12000] =	vst v63  }
0x97: {  	_ =	swait.ge [sflag:s6], $0x1900  }
0x98: {  	[sflag:s6] =	ssyncset.done $0x0  }
0x99: {  	s14 =	sadd.s32 $0x500, s12;
	[sflag:s6] =	ssyncadd.s32 $0xFFFFE700  }
0x9a: {  	[tilespmem:s21], [sflag:$0x3] =	stream.indirect.gather [hbm4b:s3+s16], $0x80, s14, s16, $0xb8;
	[tilespmem:$0x12000] =	vst v63  }
0x9b: {  	_ =	swait.ge [sflag:s7], $0x1900  }
0x9c: {  	[sflag:s7] =	ssyncset.done $0x0  }
0x9d: {  	s14 =	sadd.s32 $0x580, s12;
	[sflag:s7] =	ssyncadd.s32 $0xFFFFE700  }
0x9e: {  	[tilespmem:s23], [sflag:$0x4] =	stream.indirect.gather [hbm4b:s3+s16], $0x80, s14, s16, $0xb8;
	[tilespmem:$0x12000] =	vst v63  }
0x9f: {  	_ =	swait.ge [sflag:s8], $0x1900  }
0xa0: {  	[sflag:s8] =	ssyncset.done $0x0  }
0xa1: {  	s14 =	sadd.s32 $0x600, s12;
	[sflag:s8] =	ssyncadd.s32 $0xFFFFE700  }
0xa2: {  	[tilespmem:s25], [sflag:$0x5] =	stream.indirect.gather [hbm4b:s3+s16], $0x80, s14, s16, $0xb8;
	[tilespmem:$0x12000] =	vst v63  }
0xa3: {  	_ =	swait.ge [sflag:s9], $0x1900  }
0xa4: {  	[sflag:s9] =	ssyncset.done $0x0  }
0xa5: {  	s14 =	sadd.s32 $0x680, s12;
	[sflag:s9] =	ssyncadd.s32 $0xFFFFE700  }
0xa6: {  	[tilespmem:s28], [sflag:$0x6] =	stream.indirect.gather [hbm4b:s3+s16], $0x80, s14, s16, $0xb8;
	[tilespmem:$0x12000] =	vst v63  }
0xa7: {  	_ =	swait.ge [sflag:s10], $0x1900  }
0xa8: {  	[sflag:s10] =	ssyncset.done $0x0  }
.Ltmp0:
0xa9: {  	s14 =	sadd.s32 $0x700, s12;
	[sflag:s10] =	ssyncadd.s32 $0xFFFFE700;
	(pc) =	sbr.rel @p0 .LBB2_2-.Ltmp0, $4  }
0xaa: {  	[tilespmem:s30], [sflag:$0x7] =	stream.indirect.gather [hbm4b:s3+s16], $0x80, s14, s16, $0xb8;
	[tilespmem:$0x12000] =	vst v63  }
0xab: {  	_ =	swait.ge [sflag:s11], $0x1900  }
0xac: {  	[sflag:s11] =	ssyncset.done $0x0  }
0xad: {  	s15 =	sadd.s32 $0x1C00, s15;
	s12 =	sadd.s32 $0x780, s12;
	[sflag:s11] =	ssyncadd.s32 $0xFFFFE700  }
0xae: {  	[tilespmem:s0], [sflag:$0x8] =	stream.indirect.gather [hbm4b:s3+s16], $0x80, s12, s16, $0xb8;
	[tilespmem:$0x12000] =	vst v63  }
0xaf: {  	_ =	swait.ge [sflag:s1], $0x1900  }
0xb0: {  	[sflag:s1] =	ssyncset.done $0x0  }
0xb1: {  	s13 =	rddreg [dreg:$0x3];
	[sflag:s1] =	ssyncadd.s32 $0xFFFFE700  }
0xb2: {  	[hbm4b:s13+s2] =	stream.linear.scatter [tilespmem:s17], [sflag:$0x9], $0x1900, $0x38;
	[tilespmem:$0x12000] =	vst v63  }
0xb3: {  	_ =	swait.ge [sflag:s18], $0x1900  }
0xb4: {  	[sflag:s18] =	ssyncset.done $0x0  }
0xb5: {  	s14 =	rddreg [dreg:$0x4];
	[sflag:s18] =	ssyncadd.s32 $0xFFFFE700  }
0xb6: {  	[hbm4b:s14+s2] =	stream.linear.scatter [tilespmem:s19], [sflag:$0xA], $0x1900, $0x38;
	[tilespmem:$0x12000] =	vst v63  }
0xb7: {  	_ =	swait.ge [sflag:s20], $0x1900  }
0xb8: {  	[sflag:s20] =	ssyncset.done $0x0  }
0xb9: {  	s15 =	rddreg [dreg:$0x5];
	[sflag:s20] =	ssyncadd.s32 $0xFFFFE700  }
0xba: {  	[hbm4b:s15+s2] =	stream.linear.scatter [tilespmem:s21], [sflag:$0xB], $0x1900, $0x38;
	[tilespmem:$0x12000] =	vst v63  }
0xbb: {  	_ =	swait.ge [sflag:s22], $0x1900  }
0xbc: {  	[sflag:s22] =	ssyncset.done $0x0  }
0xbd: {  	s13 =	rddreg [dreg:$0x6];
	[sflag:s22] =	ssyncadd.s32 $0xFFFFE700  }
0xbe: {  	[hbm4b:s13+s2] =	stream.linear.scatter [tilespmem:s23], [sflag:$0xC], $0x1900, $0x38;
	[tilespmem:$0x12000] =	vst v63  }
0xbf: {  	_ =	swait.ge [sflag:s24], $0x1900  }
0xc0: {  	[sflag:s24] =	ssyncset.done $0x0  }
0xc1: {  	s14 =	rddreg [dreg:$0x7];
	[sflag:s24] =	ssyncadd.s32 $0xFFFFE700  }
0xc2: {  	[hbm4b:s14+s2] =	stream.linear.scatter [tilespmem:s25], [sflag:$0xD], $0x1900, $0x38;
	[tilespmem:$0x12000] =	vst v63  }
0xc3: {  	_ =	swait.ge [sflag:s26], $0x1900  }
0xc4: {  	[sflag:s26] =	ssyncset.done $0x0  }
0xc5: {  	s15 =	rddreg [dreg:$0x8];
	[sflag:s26] =	ssyncadd.s32 $0xFFFFE700  }
0xc6: {  	[hbm4b:s15+s2] =	stream.linear.scatter [tilespmem:s28], [sflag:$0xE], $0x1900, $0x38;
	[tilespmem:$0x12000] =	vst v63  }
0xc7: {  	_ =	swait.ge [sflag:s29], $0x1900  }
0xc8: {  	[sflag:s29] =	ssyncset.done $0x0  }
0xc9: {  	s13 =	rddreg [dreg:$0x9];
	[sflag:s29] =	ssyncadd.s32 $0xFFFFE700  }
0xca: {  	[hbm4b:s13+s2] =	stream.linear.scatter [tilespmem:s30], [sflag:$0xF], $0x1900, $0x38;
	[tilespmem:$0x12000] =	vst v63  }
0xcb: {  	_ =	swait.ge [sflag:s31], $0x1900  }
0xcc: {  	[sflag:s31] =	ssyncset.done $0x0  }
0xcd: {  	s14 =	rddreg [dreg:$0xa];
	[sflag:s31] =	ssyncadd.s32 $0xFFFFE700  }
0xce: {  	[hbm4b:s14+s2] =	stream.linear.scatter [tilespmem:s0], [sflag:$0x10], $0x1900, $0x38;
	[tilespmem:$0x12000] =	vst v63  }
0xcf: {  	_ =	swait.ge [sflag:s4], $0x1900  }
0xd0: {  	[sflag:s4] =	ssyncset.done $0x0  }
0xd1: {  	[sflag:s4] =	ssyncadd.s32 $0xFFFFE700  }
0xd2: {  	_ =	swait.ge [sflag:s5], $0x1900  }
0xd3: {  	[sflag:s5] =	ssyncset.done $0x0  }
0xd4: {  	[sflag:s5] =	ssyncadd.s32 $0xFFFFE700  }
0xd5: {  	_ =	swait.ge [sflag:s6], $0x1900  }
0xd6: {  	[sflag:s6] =	ssyncset.done $0x0  }
0xd7: {  	[sflag:s6] =	ssyncadd.s32 $0xFFFFE700  }
0xd8: {  	_ =	swait.ge [sflag:s7], $0x1900  }
0xd9: {  	[sflag:s7] =	ssyncset.done $0x0  }
0xda: {  	[sflag:s7] =	ssyncadd.s32 $0xFFFFE700  }
0xdb: {  	_ =	swait.ge [sflag:s8], $0x1900  }
0xdc: {  	[sflag:s8] =	ssyncset.done $0x0  }
0xdd: {  	[sflag:s8] =	ssyncadd.s32 $0xFFFFE700  }
0xde: {  	_ =	swait.ge [sflag:s9], $0x1900  }
0xdf: {  	[sflag:s9] =	ssyncset.done $0x0  }
0xe0: {  	[sflag:s9] =	ssyncadd.s32 $0xFFFFE700  }
0xe1: {  	_ =	swait.ge [sflag:s10], $0x1900  }
0xe2: {  	[sflag:s10] =	ssyncset.done $0x0  }
0xe3: {  	[sflag:s10] =	ssyncadd.s32 $0xFFFFE700  }
0xe4: {  	_ =	swait.ge [sflag:s11], $0x1900  }
0xe5: {  	s13 =	rddreg [dreg:$0xd]  }
0xe6: {  	s15 =	rddreg [dreg:$0xb];
	s13 =	sadd.s32 $0x1, s13  }
0xe7: {  	p0 =	sne.s32 s13, s15  }
.Ltmp1:
0xe8: {  	_ = 	snop;
	(pc) =	sbr.rel @p0 .LBB2_1-.Ltmp1, $3  }
0xe9: {  	_ =	sdelay $0x1  }
0xea: {  	[sflag:s11] =	ssyncset.done $0x0  }
0xeb: {  	[sflag:s11] =	ssyncadd.s32 $0xFFFFE700  }
0xec: {  	_ =	sfence.sel $0x180000  }
0xed: {  	[bflag:$0x0] =	sbarrier.arrive $0xFFFF  }
0xee: {  	_ =	strace $0x90000047  }
0xef: {  	s0 =	stileid.u32;
	[bflag:$0x2] =	sbarrier.arrive $0xFFFF  }
0xf0: {  	p0 =	sne.s32 s0, $0x0;
	s0 =	rddreg [dreg:$0x1]  }
0xf1: {  	s0 =	sadd.s32 @!p0 $0x100000, s0  }
0xf2: {  	[sflag:s0] =	ssyncadd.tile.s32 @!p0 $0x1;
	_ =	shalt  }
.Lfunc_end2:
_tile_overlayer_lowered:
.L_overlay_start_2:
0xf3: {  	(tag) =	ssettag $0x2  }
0xf4: {  	s0 =	rddreg [dreg:$0x0];
	s2 =	stileid.u32  }
0xf5: {  	s1 =	rddreg [dreg:$0x1];
	p0 =	sne.s32 s2, $0x0  }
0xf6: {  	s3 =	rddreg [dreg:$0x2];
	[bflag:$0x3] =	sbarrier.arrive $0xFFFF;
	s2 =	simm.s32 @!p0 $0x1C11  }
0xf7: {  	[timem:s3], [sflag:s2] =	dma.local @!p0 [hbm:s0], s1  }
0xf8: {  	s0 =	simm.s32 @!p0 $0x11  }
0xf9: {  	_ =	swait.ge @!p0 [sflag:s0], s1  }
0xfa: {  	s1 =	ssub.s32 @!p0 $0x0, s1;
	[sflag:s0] =	ssyncset.done @!p0 $0x0  }
0xfb: {  	[sflag:s0] =	ssyncadd.s32 @!p0 s1  }
0xfc: {  	[bflag:$0x3] =	sbarrier.arrive $0xFFFF  }
0xfd: {  	_ =	shalt  }

// kernel: sparse-core-data-format-call.cloned.1.call-start
scs
called_computation_lowered:
.L_overlay_start_0:
0x0: {  	s2 =	sld [smem:$0x3FD9]  }
0x1: {  	s3 =	sld [smem:$0x3FFE];
	_ =	sdelay $0x1  }
0x2: {  	s1 =	srdreg.scid  }
0x3: {  	s0 =	sand.u32 $0x1, s1  }
0x4: {  	s18 =	sshll.u32 s0, $0xA;
	s2 =	sadd.s32 s3, s2  }
0x5: {  	s2 =	sadd.s32 s2, s18  }
0x6: {  	[smem:$0x3FC6] =	sst s2  }
0x7: {  	_ = 	snop  }
0x8: {  	s2 =	sld [smem:$0x3FD0];
	(tm) =	ssettm $0x1  }
0x9: {  	s19 =	sld [smem:$0x3FFB];
	_ =	sdelay $0x3  }
0xa: {  	_ =	strace s19  }
0xb: {  	s3 =	sld [smem:$0x3FFC];
	_ =	sdelay $0x3  }
0xc: {  	_ =	strace s3  }
0xd: {  	s3 =	sld [smem:$0x3FFD];
	_ =	sdelay $0x3  }
0xe: {  	_ =	strace s3  }
0xf: {  	_ =	strace $0x8FFFFFFF  }
0x10: {  	s20 =	sld [smem:$0x3FDB];
	_ =	sdelay $0x1  }
0x11: {  	s4 =	simm.s32 $_scs_section_size  }
0x12: {  	s5 =	simm.s32 $_size__tile_overlayer_lowered;
	s6 =	simm.s32 $_tile_overlayer_lowered  }
0x13: {  	s23 =	simm.s32 $0x1BFF;
	s22 =	sshll.u32 s6, $0x1;
	s3 =	sadd.s32 s4, s20  }
0x14: {  	s7 =	simm.s32 $0x0;
	s21 =	sshll.u32 s5, $0x1;
	s5 =	sadd.s32 s22, s3  }
0x15: {  	[timem:s7], [sflag:s23] =	dma.local [hbm:s5], s21  }
0x16: {  	_ =	swait.ge [sflag:s23], s21  }
0x17: {  	s4 =	ssub.s32 $0x0, s21;
	[sflag:s23] =	ssyncset.done $0x0  }
0x18: {  	[sflag:s23] =	ssyncadd.s32 s4;
	_ =	sdelay $0x1  }
0x19: {  	s24 =	simm.s32 $0x1B8B  }
0x1a: {  	_ =	swait.ge [sflag:s24], $0x1  }
0x1b: {  	[sflag:s24] =	ssyncset.done $0x0  }
0x1c: {  	s26 =	simm.s32 $0x1B8E;
	s25 =	sld [smem:$0x3FFE];
	[sflag:s24] =	ssyncadd.s32 $0xFFFFFFFF  }
0x1d: {  	s27 =	simm.s32 $execute0_lowered;
	[smem:$0x3FD2] =	sst s26  }
0x1e: {  	s5 =	sshll.u32 s27, $0x1;
	_ =	strace $0x80000049;
	[dreg:$0x1] =	wrdreg $0xFFFFFFFF  }
0x1f: {  	s28 =	simm.s32 $_size_execute0_lowered;
	s3 =	sadd.s32 s3, s5;
	[dreg:$0x0] =	wrdreg $0x0  }
0x20: {  	s5 =	sshll.u32 s28, $0x1;
	[dreg:$0x2] =	wrdreg s3  }
0x21: {  	[dreg:$0x3] =	wrdreg s5  }
0x22: {  	[dreg:$0x4] =	wrdreg $0xC0  }
0x23: {  	_ =	task [dreg:s7], $0x5FFFF  }
0x24: {  	[dreg:$0x1] =	wrdreg $0xFFFFFFFF  }
0x25: {  	[dreg:$0x0] =	wrdreg $0x60  }
0x26: {  	[dreg:$0x2] =	wrdreg s25  }
0x27: {  	[dreg:$0x3] =	wrdreg s2  }
0x28: {  	[dreg:$0x4] =	wrdreg $0x9  }
0x29: {  	_ =	task.clear_ibuf [dreg:s7], $0x5FFFF;
	_ =	strace $0x90000049  }
0x2a: {  	s29 =	simm.s32 $0x9;
	_ =	strace $0x8000004B  }
0x2b: {  	_ =	swait.ge [sflag:s29], $0x1  }
0x2c: {  	[sflag:s29] =	ssyncadd.s32 $0xFFFFFFFF  }
0x2d: {  	_ =	strace $0x9000004B  }
0x2e: {  	_ =	sfence  }
0x2f: {  	s30 =	sld [smem:$0x0];
	_ =	sdelay $0x2  }
0x30: {  	s31 =	sshll.u32 s1, $0xD;
	s1 =	sshrl.u32 s1, $0x2  }
0x31: {  	s3 =	sand.u32 $0x4000, s31;
	s1 =	sadd.s32 s1, s30  }
0x32: {  	s0 =	sor.u32 s3, s0;
	s1 =	sshll.u32 s1, $0x11  }
0x33: {  	s0 =	sor.u32 s1, s0  }
0x34: {  	s0 =	sadd.s32 $0x8F2B, s0  }
0x35: {  	[sflag:s0] =	ssyncadd.remote.s32 $0x1  }
0x36: {  	_ =	sfence.sel $0xFFFF  }
0x37: {  	[dreg:$0x0] =	wrdreg $0xFFFFFFFF;
	(pc) =	sbr.abs _section_cstart, $3  }
0x38: {  	[dreg:$0x1] =	wrdreg $0xFFFFFFFF  }
0x39: {  	_ =	task.clear_ibuf [dreg:s7], $0x2FFFF;
	_ =	strace $0x9FFFFFFF  }
0x3a: {  	(tm) =	ssettm $0x7FFFFFFF  }
0x3b: {  	_ =	shalt  }
tec
execute0_lowered:
.L_overlay_start_1:
0x0: {  	(tag) =	ssettag $0x1  }
0x1: {  	s0 =	srdreg.scid  }
0x2: {  	s1 =	sshll.u32 s0, $0x4  }
0x3: {  	s0 =	stileid.u32;
	s1 =	sand.u32 $0x10, s1  }
0x4: {  	s1 =	sor.u32 s0, s1  }
0x5: {  	s6 =	rddreg [dreg:$0x0];
	s4 =	simm.s32 $0x1;
	s2 =	sshll.u32 s1, $0x7  }
0x6: {  	s7 =	simm.s32 $0x2;
	s12 =	simm.s32 $0x0;
	s1 =	ssub.s32 $0x1000, s2  }
0x7: {  	s8 =	simm.s32 $0x8000;
	s13 =	simm.s32 $0x0;
	s3 =	sand.u32 $0xF80, s1  }
0x8: {  	s9 =	simm.s32 $0x0;
	s5 =	sshrl.u32 s1, $0xC;
	p0 =	sne.s32 s3, $0x0  }
.Ltmp0:
0x9: {  	s1 =	rddreg [dreg:$0x2];
	s4 =	simm.s32 @!p0 $0x0;
	(pc) =	sbr.rel .LBB1_1-.Ltmp0, $4  }
0xa: {  	s11 =	simm.s32 $0x0;
	s3 =	rddreg [dreg:$0x1];
	s5 =	sadd.s32 s4, s5  }
0xb: {  	_ =	strace $0x8000004A;
	s4 =	simm.s32 $0x1;
	s5 =	smul.u32 $0x32, s5  }
0xc: {  	s6 =	sadd.s32 $0x197200, s6;
	s10 =	smov.u32 s2;
	[sflag:s4] =	ssyncpa.u1 $0x0  }
0xd: {  	p0 =	por $0x0, $0x0;
	[sflag:s7] =	ssyncpa.u1 $0x0;
	s7 =	sor.u32 $0x1, s5  }
.LBB1_4:
0xe: {  	s16 =	sshll.u32 s13, $0x3;
	s17 =	sand.u32 $0x78, s13  }
0xf: {  	s30 =	sand.u32 $0x7E00, s13;
	s12 =	sshll.u32 s12, $0xF;
	s16 =	sand.u32 $0xC00, s16  }
0x10: {  	[tilespmem:s15+$0x810 ss:$0x81] =	vst.msk $0xffff, v2;
	s31 =	sand.u32 $0x7, s13;
	s16 =	sor.u32 s17, s16;
	s17 =	sadd.s32 s3, s30  }
0x11: {  	[tilespmem:s15+$0x1020 ss:$0x81] =	vst.msk $0xffff, v0;
	s13 =	sshll.u32 s31, $0x12;
	s12 =	sadd.s32 s12, s17;
	s16 =	sshrl.u32 s16, $0x3  }
0x12: {  	[tilespmem:s15+$0x0 ss:$0x81] =	vst.msk $0xffff, v1;
	s13 =	sor.u32 $0x400, s13;
	s12 =	sadd.s32 s16, s12  }
0x13: {  	[hbm4b:s12+s13] =	stream.strided.scatter [tilespmem:s14], [sflag:$0x2], $0x2000, s8, s13, $0x20;
	[tilespmem:$0x8080] =	vst v63  }
.LBB1_5:
0x14: {  	s14 =	sadd.s32 $0x1, s9  }
0x15: {  	s12 =	sadd.s32 $0x1000, s10;
	s16 =	smov.u32 s10;
	p2 =	sgt.s32 s14, $0x31  }
0x16: {  	s16 =	smov.u32 @p2 s12  }
0x17: {  	s14 =	simm.s32 @p2 $0x0;
	p2 =	sgt.s32 s16, $0xFFF  }
0x18: {  	s16 =	smov.u32 @p2 s2;
	p2 =	sne.s32 s11, s7  }
.Ltmp1:
0x19: {  	p1 =	slt.u32 s11, $0x2;
	(pc) =	sbr.rel @!p2 .LBB1_6-.Ltmp1, $4  }
0x1a: {  	s15 =	simm.s32 @!p1 $0x2  }
0x1b: {  	s13 =	smov.u32 s10;
	p0 =	por !p0, !p0;
	_ =	swait.ge @!p1 [sflag:s15], $0x2000  }
0x1c: {  	s12 =	smov.u32 s9;
	[sflag:s15] =	ssyncset.done @!p1 $0x0;
	s9 =	smov.u32 s14  }
0x1d: {  	s11 =	sadd.s32 $0x1, s11;
	[sflag:s15] =	ssyncadd.s32 @!p1 $0xFFFFE000;
	s10 =	smov.u32 s16  }
.LBB1_1:
0x1e: {  	p1 =	sge.u32 s11, s5  }
0x1f: {  	s14 =	sand.u32 @!p1 $0x1FFFFFF, s9  }
0x20: {  	s15 =	smulhi.u32 @!p1 $0x4924925, s14;
	_ =	sdelay $0x1  }
0x21: {  	s15 =	smul.u32 @!p1 $0x38, s15  }
0x22: {  	s16 =	sxor.u32 @!p1 $0xFFFFFFFF, s11;
	s17 =	smul.u32 @!p1 $0x380, s10  }
0x23: {  	s31 =	sadd.s32 $0xFFFFFFFF, s11;
	s16 =	sshll.u32 @!p1 s16, $0xD;
	s14 =	ssub.s32 @!p1 s14, s15  }
0x24: {  	s15 =	sand.u32 @!p1 $0x2000, s16;
	s16 =	sadd.s32 @!p1 s6, s17;
	s14 =	sshll.u32 @!p1 s14, $0x4  }
0x25: {  	s17 =	simm.s32 @!p1 $0x1C00;
	s14 =	sadd.s32 @!p1 s14, s16;
	s16 =	simm.s32 @!p1 $0x40  }
0x26: {  	[tilespmem:s15], [sflag:$0x1] =	stream.strided.gather @!p1 [hbm4b:s14+s16], $0x2000, s17, s16, $0x38;
	[tilespmem:$0x8080] =	vst v63  }
0x27: {  	p1 =	sge.u32 s31, s5  }
.Ltmp2:
0x28: {  	_ = 	snop;
	(pc) =	sbr.rel @p1 .LBB1_5-.Ltmp2, $1  }
0x29: {  	_ =	sdelay $0x3  }
0x2a: {  	s14 =	simm.s32 $0x1  }
0x2b: {  	_ =	swait.ge [sflag:s4], $0x2000;
	s14 =	simm.s32 @!p0 $0x0  }
0x2c: {  	[sflag:s4] =	ssyncset.done $0x0;
	s15 =	sshll.u32 s14, $0xD  }
0x2d: {  	[sflag:s4] =	ssyncadd.s32 $0xFFFFE000;
	s18 =	sor.u32 $0x20, s15  }
0x2e: {  	s14 =	smul.u32 $0x8100, s14;
	v3 =	vld [tilespmem:s18+$0x10]  }
0x2f: {  	s30 =	sand.u32 $0x1, s11;
	v2 =	vld [tilespmem:s18+$0xFFFFFFF0]  }
0x30: {  	s15 =	smul.u32 $0x8100, s30;
	s14 =	sshrl.u32 s14, $0x2;
	v0 =	vld [tilespmem:s18+$0x0]  }
0x31: {  	v1 =	vld [tilespmem:s18+$0xFFFFFFE0];
	s16 =	sor.u32 $0x4000, s14  }
0x32: {  	s31 =	sshrl.u32 s15, $0x2;
	s15 =	sadd.s32 $0x0, s16  }
0x33: {  	s17 =	simm.s32 $0x4;
	s18 =	sadd.s32 $0x40, s18;
	s14 =	sor.u32 $0x4000, s31;
	[tilespmem:s15+$0x1830 ss:$0x81] =	vst.msk $0xffff, v3  }
.LBB1_3:
0x34: {  	v3 =	vld [tilespmem:s18+$0x10];
	p1 =	sne.s32 s17, $0x1FC;
	[tilespmem:s15+$0x810 ss:$0x81] =	vst.msk $0xffff, v2;
	s19 =	smov.u32 s17;
	s17 =	sadd.s32 $0x4, s17  }
.Ltmp3:
0x35: {  	v2 =	vld [tilespmem:s18+$0xFFFFFFF0];
	[tilespmem:s15+$0x1020 ss:$0x81] =	vst.msk $0xffff, v0;
	(pc) =	sbr.rel @p1 .LBB1_3-.Ltmp3, $4  }
0x36: {  	v0 =	vld [tilespmem:s18+$0x0];
	[tilespmem:s15+$0x0 ss:$0x81] =	vst.msk $0xffff, v1  }
0x37: {  	s15 =	sshra.s32 s19, $0x2;
	v1 =	vld [tilespmem:s18+$0xFFFFFFE0]  }
0x38: {  	s15 =	sadd.s32 s15, s16  }
0x39: {  	s18 =	sadd.s32 $0x40, s18;
	[tilespmem:s15+$0x1830 ss:$0x81] =	vst.msk $0xffff, v3  }
.Ltmp4:
0x3a: {  	_ = 	snop;
	(pc) =	sbr.rel .LBB1_4-.Ltmp4, $1  }
0x3b: {  	_ =	sdelay $0x3  }
.LBB1_6:
0x3c: {  	_ =	sfence.sel $0x180000  }
0x3d: {  	s2 =	simm.s32 $0x1;
	[bflag:$0x0] =	sbarrier.arrive $0xFFFF  }
0x3e: {  	s31 =	simm.s32 $0x2;
	[sflag:s2] =	ssyncpa.u1 $0x1  }
0x3f: {  	[sflag:s31] =	ssyncpa.u1 $0x1  }
0x40: {  	p0 =	sne.s32 s0, $0x0;
	_ =	strace $0x9000004A  }
0x41: {  	s0 =	sadd.s32 @!p0 $0x100000, s1;
	[bflag:$0x2] =	sbarrier.arrive $0xFFFF  }
0x42: {  	[sflag:s0] =	ssyncadd.tile.s32 @!p0 $0x1;
	_ =	shalt  }
.Lfunc_end1:
_tile_overlayer_lowered:
.L_overlay_start_2:
0x43: {  	(tag) =	ssettag $0x2  }
0x44: {  	s0 =	rddreg [dreg:$0x0];
	s2 =	stileid.u32  }
0x45: {  	s1 =	rddreg [dreg:$0x1];
	p0 =	sne.s32 s2, $0x0  }
0x46: {  	s3 =	rddreg [dreg:$0x2];
	[bflag:$0x3] =	sbarrier.arrive $0xFFFF;
	s2 =	simm.s32 @!p0 $0x1C01  }
0x47: {  	[timem:s3], [sflag:s2] =	dma.local @!p0 [hbm:s0], s1  }
0x48: {  	s0 =	simm.s32 @!p0 $0x1  }
0x49: {  	_ =	swait.ge @!p0 [sflag:s0], s1  }
0x4a: {  	s1 =	ssub.s32 @!p0 $0x0, s1;
	[sflag:s0] =	ssyncset.done @!p0 $0x0  }
0x4b: {  	[sflag:s0] =	ssyncadd.s32 @!p0 s1  }
0x4c: {  	[bflag:$0x3] =	sbarrier.arrive $0xFFFF  }
0x4d: {  	_ =	shalt  }

</sc_bundles>
